<compile_context>
chip_gen: v7x
topology: tpu7x:2x2x1
jax: 0.10.2.dev20260603
libtpu: 0.0.44.dev20260713+nightly
codegen_flags: <defaults>
</compile_context>

<pallas_src>
import jax
import jax.numpy as jnp
from jax import lax
from jax.experimental import pallas as pl
from jax.experimental.pallas import tpu as pltpu
from jax.experimental.pallas import tpu_sc as plsc

N_RES = 65
C_Z = 128
LANES = 16
N_PAD = 80
N_CHUNKS = N_PAD // LANES
ROWS_PER_WORKER = 5
N_WORKERS = 13
C_CHUNKS = C_Z // LANES


def _relpos_body(ri_hbm, wt_hbm, b_hbm, out_hbm,
                 ri_v, b_v, wt_v, out_v, sem_ri, sem_t, sem_o):
    wid = lax.axis_index("s")

    @pl.when(wid < N_WORKERS)
    def _work():
        cp_ri = pltpu.async_copy(ri_hbm, ri_v.at[pl.ds(0, N_RES)], sem_ri)
        cp_wt = pltpu.async_copy(wt_hbm, wt_v, sem_t)
        cp_b = pltpu.async_copy(b_hbm, b_v, sem_t)
        cp_ri.wait()

        lane = lax.iota(jnp.int32, LANES)
        lane_f = lane.astype(jnp.float32)
        inf16 = jnp.full((LANES,), jnp.inf, jnp.float32)
        rots = [(lane + s) % LANES for s in (1, 2, 4, 8)]
        base = wid * ROWS_PER_WORKER

        a = [
            ri_v[pl.ds(k * LANES, LANES)] - (lane_f + float(k * LANES - 32))
            for k in range(N_CHUNKS)
        ]
        tail_bad = lane >= (N_RES - (N_CHUNKS - 1) * LANES)

        idxs = []
        for r in range(ROWS_PER_WORKER):
            i = base + r
            ri_i = ri_v[pl.ds(i, LANES)][0]
            best_val = inf16
            best_j = jnp.zeros((LANES,), jnp.int32)
            for k in range(N_CHUNKS):
                t = jnp.abs(a[k] - ri_i)
                invalid = lane == (i - k * LANES)
                if k == N_CHUNKS - 1:
                    invalid = invalid | tail_bad
                t = jnp.where(invalid, inf16, t)
                upd = t < best_val
                best_val = jnp.where(upd, t, best_val)
                best_j = jnp.where(upd, lane + (k * LANES), best_j)
            for rot in rots:
                sh_v = jnp.take(best_val, rot)
                sh_j = jnp.take(best_j, rot)
                better = sh_v < best_val
                tie = (sh_v == best_val) & (sh_j < best_j)
                best_val = jnp.where(better, sh_v, best_val)
                best_j = jnp.where(better | tie, sh_j, best_j)
            idxs.append(best_j[0])
        cp_b.wait()
        cp_wt.wait()
        stores = []
        for r in range(ROWS_PER_WORKER):
            off = idxs[r] * C_Z
            for c in range(C_CHUNKS):
                out_v[pl.ds(r * C_Z + c * LANES, LANES)] = (
                    wt_v[pl.ds(off + c * LANES, LANES)]
                    + b_v[pl.ds(c * LANES, LANES)]
                )
            stores.append(
                pltpu.async_copy(
                    out_v.at[pl.ds(r * C_Z, C_Z)],
                    out_hbm.at[pl.ds((base + r) * C_Z, C_Z)],
                    sem_o,
                )
            )
        for cp in stores:
            cp.wait()


def kernel(residue_index, W, b):
    wt_flat = W.T.reshape(N_RES * C_Z)
    mesh = plsc.VectorSubcoreMesh(
        core_axis_name="c", subcore_axis_name="s", num_cores=1
    )
    out = pl.kernel(
        _relpos_body,
        mesh=mesh,
        out_type=jax.ShapeDtypeStruct((N_RES * C_Z,), jnp.float32),
        scratch_types=[
            pltpu.VMEM((N_PAD,), jnp.float32),
            pltpu.VMEM((C_Z,), jnp.float32),
            pltpu.VMEM((N_RES * C_Z,), jnp.float32),
            pltpu.VMEM((ROWS_PER_WORKER * C_Z,), jnp.float32),
            pltpu.SemaphoreType.DMA,
            pltpu.SemaphoreType.DMA,
            pltpu.SemaphoreType.DMA,
        ],
    )(residue_index, wt_flat, b)
    return out.reshape(N_RES, C_Z)

# --- scband reference (transcript-rebuilt; emitter-appended) ---
"""Pipeline reference for scband-rel-pos-20753281974310 (READ-ONLY COPY).

The authoritative reference and input builder live on the scoring server;
editing this copy changes nothing except your own understanding.
"""

import jax, jax.numpy as jnp
import numpy as np

N_RES = 65
C_Z = 128

def setup_inputs(seed: int = 0) -> dict:
    key = jax.random.key(seed)
    kW, kb = jax.random.split(key)
    residue_index = jnp.arange(N_RES, dtype=jnp.float32)
    W = jax.random.normal(kW, (C_Z, N_RES), dtype=jnp.float32) * (1.0 / np.sqrt(N_RES))
    b = jax.random.normal(kb, (C_Z,), dtype=jnp.float32) * 0.01
    return {"residue_index": residue_index, "W": W, "b": b}

def reference(residue_index, W, b):
    # v_bins = torch.arange(-32, 33)
    v_bins = jnp.arange(-32, 33).astype(residue_index.dtype)
    # d = residue_index.unsqueeze(0) - residue_index.unsqueeze(1)  -> d[i, j] = ri[j] - ri[i]
    d = residue_index[None, :] - residue_index[:, None]
    n = d.shape[0]
    diag = jnp.arange(n)
    # d.fill_diagonal_(inf)
    d = d.at[diag, diag].set(jnp.inf)
    # one_hot: note torch broadcast abs(d[i, j] - v_bins[j]) since d is [N, N] and v_bins is [N] with N == 65
    indices = jnp.argmin(jnp.abs(d - v_bins[None, :]), axis=-1)
    p = jnp.zeros_like(d)
    p = p.at[jnp.arange(d.shape[0]), indices].set(1.0)
    # linear: p @ W.T + b
    out = p @ W.T + b
    return out

if __name__ == "__main__":
    import jax
    _d = setup_inputs()
    print(jax.jit(kernel)(*tuple(_d.values())))

</pallas_src>

<mosaic_0001>
#map = affine_map<(d0, d1) -> (0)>
module attributes {stable_mosaic.version = 14 : i64} {
  func.func @_relpos_body(%arg0: i32, %arg1: i32, %arg2: memref<65xf32, #tpu.memory_space<hbm>>, %arg3: memref<8320xf32, #tpu.memory_space<hbm>>, %arg4: memref<128xf32, #tpu.memory_space<hbm>>, %arg5: memref<8320xf32, #tpu.memory_space<hbm>>, %arg6: memref<80xf32, #tpu.memory_space<vmem>>, %arg7: memref<128xf32, #tpu.memory_space<vmem>>, %arg8: memref<8320xf32, #tpu.memory_space<vmem>>, %arg9: memref<640xf32, #tpu.memory_space<vmem>>, %arg10: memref<!tpu.dma_semaphore, #tpu.memory_space<semaphore_mem>>, %arg11: memref<!tpu.dma_semaphore, #tpu.memory_space<semaphore_mem>>, %arg12: memref<!tpu.dma_semaphore, #tpu.memory_space<semaphore_mem>>) attributes {dimension_semantics = [#tpu.dimension_semantics<core_parallel>, #tpu.dimension_semantics<subcore_parallel>], iteration_bounds = array<i64: 1, 16>, scalar_prefetch = 0 : i64, scratch_operands = 7 : i64, tpu.core_type = #tpu.core_type<sc_vector_subcore>, window_params = [{transform_indices = #map}, {transform_indices = #map}, {transform_indices = #map}, {transform_indices = #map}]} {
    %lt3A = arith.constant 13 : i32
    %lt3A_0 = arith.cmpi slt, %arg1, %lt3A : i32
    %convert_element_type3A = arith.extui %lt3A_0 : i1 to i32
    %cond3A = arith.constant 0 : i32
    %cond3A_1 = arith.cmpi ne, %convert_element_type3A, %cond3A : i32
    scf.if %cond3A_1 {
      %dma_start3A = arith.constant 0 : i32
      %dma_start3A_2 = tpu.memref_slice %arg6[%dma_start3A] : memref<80xf32, #tpu.memory_space<vmem>> -> memref<65xf32, #tpu.memory_space<vmem>>
      %dma_start3A_3 = arith.constant 0 : i32
      %dma_start3A_4 = tpu.memref_slice %arg6[%dma_start3A_3] : memref<80xf32, #tpu.memory_space<vmem>> -> memref<65xf32, #tpu.memory_space<vmem>>
      tpu.enqueue_dma source(%arg2 : memref<65xf32, #tpu.memory_space<hbm>>) target(%dma_start3A_4 : memref<65xf32, #tpu.memory_space<vmem>>) target_semaphore(%arg10 : memref<!tpu.dma_semaphore, #tpu.memory_space<semaphore_mem>>)
      tpu.enqueue_dma source(%arg3 : memref<8320xf32, #tpu.memory_space<hbm>>) target(%arg8 : memref<8320xf32, #tpu.memory_space<vmem>>) target_semaphore(%arg11 : memref<!tpu.dma_semaphore, #tpu.memory_space<semaphore_mem>>)
      tpu.enqueue_dma source(%arg4 : memref<128xf32, #tpu.memory_space<hbm>>) target(%arg7 : memref<128xf32, #tpu.memory_space<vmem>>) target_semaphore(%arg11 : memref<!tpu.dma_semaphore, #tpu.memory_space<semaphore_mem>>)
      %dma_wait3A = arith.constant 0 : i32
      %dma_wait3A_5 = tpu.memref_slice %arg6[%dma_wait3A] : memref<80xf32, #tpu.memory_space<vmem>> -> memref<65xf32, #tpu.memory_space<vmem>>
      %dma_wait3A_6 = arith.constant 0 : i32
      %dma_wait3A_7 = tpu.memref_slice %arg6[%dma_wait3A_6] : memref<80xf32, #tpu.memory_space<vmem>> -> memref<65xf32, #tpu.memory_space<vmem>>
      tpu.wait_dma2 semaphore(%arg10 : memref<!tpu.dma_semaphore, #tpu.memory_space<semaphore_mem>>) src(%arg2 : memref<65xf32, #tpu.memory_space<hbm>>) dst(%dma_wait3A_7 : memref<65xf32, #tpu.memory_space<vmem>>)
      %iota3A = tpu.iota {dimensions = array<i32: 0>} : vector<16xi32>
      %convert_element_type3A_8 = arith.sitofp %iota3A : vector<16xi32> to vector<16xf32>
      %broadcast_in_dim3A = arith.constant 0x7F800000 : f32
      %broadcast_in_dim3A_9 = vector.broadcast %broadcast_in_dim3A : f32 to vector<16xf32>
      %add3A = arith.constant 1 : i32
      %add3A_10 = vector.broadcast %add3A : i32 to vector<16xi32>
      %add3A_11 = arith.addi %iota3A, %add3A_10 : vector<16xi32>
      %jit3A = arith.constant 16 : i32
      %eq3A = arith.constant 0 : i32
      %eq3A_12 = arith.cmpi eq, %jit3A, %eq3A : i32
      %jit3A_13 = arith.constant 1 : i32
      %select_n3A = arith.select %eq3A_12, %jit3A_13, %jit3A : i32
      %rem3A = vector.broadcast %select_n3A : i32 to vector<16xi32>
      %rem3A_14 = arith.remsi %add3A_11, %rem3A : vector<16xi32>
      %ne3A = arith.constant 0 : i32
      %ne3A_15 = vector.broadcast %ne3A : i32 to vector<16xi32>
      %ne3A_16 = arith.cmpi ne, %rem3A_14, %ne3A_15 : vector<16xi32>
      %lt3A_17 = arith.constant 0 : i32
      %lt3A_18 = vector.broadcast %lt3A_17 : i32 to vector<16xi32>
      %lt3A_19 = arith.cmpi slt, %rem3A_14, %lt3A_18 : vector<16xi32>
      %lt3A_20 = arith.constant 0 : i32
      %lt3A_21 = arith.cmpi slt, %select_n3A, %lt3A_20 : i32
      %ne3A_22 = vector.broadcast %lt3A_21 : i1 to vector<16xi1>
      %ne3A_23 = vector.broadcast %ne3A_22 : vector<16xi1> to vector<16xi1>
      %ne3A_24 = arith.xori %lt3A_19, %ne3A_23 : vector<16xi1>
      %and3A = arith.andi %ne3A_24, %ne3A_16 : vector<16xi1>
      %add3A_25 = vector.broadcast %select_n3A : i32 to vector<16xi32>
      %add3A_26 = arith.addi %rem3A_14, %add3A_25 : vector<16xi32>
      %select_n3A_27 = arith.select %and3A, %add3A_26, %rem3A_14 : vector<16xi1>, vector<16xi32>
      %add3A_28 = arith.constant 2 : i32
      %add3A_29 = vector.broadcast %add3A_28 : i32 to vector<16xi32>
      %add3A_30 = arith.addi %iota3A, %add3A_29 : vector<16xi32>
      %jit3A_31 = arith.constant 16 : i32
      %eq3A_32 = arith.constant 0 : i32
      %eq3A_33 = arith.cmpi eq, %jit3A_31, %eq3A_32 : i32
      %jit3A_34 = arith.constant 1 : i32
      %select_n3A_35 = arith.select %eq3A_33, %jit3A_34, %jit3A_31 : i32
      %rem3A_36 = vector.broadcast %select_n3A_35 : i32 to vector<16xi32>
      %rem3A_37 = arith.remsi %add3A_30, %rem3A_36 : vector<16xi32>
      %ne3A_38 = arith.constant 0 : i32
      %ne3A_39 = vector.broadcast %ne3A_38 : i32 to vector<16xi32>
      %ne3A_40 = arith.cmpi ne, %rem3A_37, %ne3A_39 : vector<16xi32>
      %lt3A_41 = arith.constant 0 : i32
      %lt3A_42 = vector.broadcast %lt3A_41 : i32 to vector<16xi32>
      %lt3A_43 = arith.cmpi slt, %rem3A_37, %lt3A_42 : vector<16xi32>
      %lt3A_44 = arith.constant 0 : i32
      %lt3A_45 = arith.cmpi slt, %select_n3A_35, %lt3A_44 : i32
      %ne3A_46 = vector.broadcast %lt3A_45 : i1 to vector<16xi1>
      %ne3A_47 = vector.broadcast %ne3A_46 : vector<16xi1> to vector<16xi1>
      %ne3A_48 = arith.xori %lt3A_43, %ne3A_47 : vector<16xi1>
      %and3A_49 = arith.andi %ne3A_48, %ne3A_40 : vector<16xi1>
      %add3A_50 = vector.broadcast %select_n3A_35 : i32 to vector<16xi32>
      %add3A_51 = arith.addi %rem3A_37, %add3A_50 : vector<16xi32>
      %select_n3A_52 = arith.select %and3A_49, %add3A_51, %rem3A_37 : vector<16xi1>, vector<16xi32>
      %add3A_53 = arith.constant 4 : i32
      %add3A_54 = vector.broadcast %add3A_53 : i32 to vector<16xi32>
      %add3A_55 = arith.addi %iota3A, %add3A_54 : vector<16xi32>
      %jit3A_56 = arith.constant 16 : i32
      %eq3A_57 = arith.constant 0 : i32
      %eq3A_58 = arith.cmpi eq, %jit3A_56, %eq3A_57 : i32
      %jit3A_59 = arith.constant 1 : i32
      %select_n3A_60 = arith.select %eq3A_58, %jit3A_59, %jit3A_56 : i32
      %rem3A_61 = vector.broadcast %select_n3A_60 : i32 to vector<16xi32>
      %rem3A_62 = arith.remsi %add3A_55, %rem3A_61 : vector<16xi32>
      %ne3A_63 = arith.constant 0 : i32
      %ne3A_64 = vector.broadcast %ne3A_63 : i32 to vector<16xi32>
      %ne3A_65 = arith.cmpi ne, %rem3A_62, %ne3A_64 : vector<16xi32>
      %lt3A_66 = arith.constant 0 : i32
      %lt3A_67 = vector.broadcast %lt3A_66 : i32 to vector<16xi32>
      %lt3A_68 = arith.cmpi slt, %rem3A_62, %lt3A_67 : vector<16xi32>
      %lt3A_69 = arith.constant 0 : i32
      %lt3A_70 = arith.cmpi slt, %select_n3A_60, %lt3A_69 : i32
      %ne3A_71 = vector.broadcast %lt3A_70 : i1 to vector<16xi1>
      %ne3A_72 = vector.broadcast %ne3A_71 : vector<16xi1> to vector<16xi1>
      %ne3A_73 = arith.xori %lt3A_68, %ne3A_72 : vector<16xi1>
      %and3A_74 = arith.andi %ne3A_73, %ne3A_65 : vector<16xi1>
      %add3A_75 = vector.broadcast %select_n3A_60 : i32 to vector<16xi32>
      %add3A_76 = arith.addi %rem3A_62, %add3A_75 : vector<16xi32>
      %select_n3A_77 = arith.select %and3A_74, %add3A_76, %rem3A_62 : vector<16xi1>, vector<16xi32>
      %add3A_78 = arith.constant 8 : i32
      %add3A_79 = vector.broadcast %add3A_78 : i32 to vector<16xi32>
      %add3A_80 = arith.addi %iota3A, %add3A_79 : vector<16xi32>
      %jit3A_81 = arith.constant 16 : i32
      %eq3A_82 = arith.constant 0 : i32
      %eq3A_83 = arith.cmpi eq, %jit3A_81, %eq3A_82 : i32
      %jit3A_84 = arith.constant 1 : i32
      %select_n3A_85 = arith.select %eq3A_83, %jit3A_84, %jit3A_81 : i32
      %rem3A_86 = vector.broadcast %select_n3A_85 : i32 to vector<16xi32>
      %rem3A_87 = arith.remsi %add3A_80, %rem3A_86 : vector<16xi32>
      %ne3A_88 = arith.constant 0 : i32
      %ne3A_89 = vector.broadcast %ne3A_88 : i32 to vector<16xi32>
      %ne3A_90 = arith.cmpi ne, %rem3A_87, %ne3A_89 : vector<16xi32>
      %lt3A_91 = arith.constant 0 : i32
      %lt3A_92 = vector.broadcast %lt3A_91 : i32 to vector<16xi32>
      %lt3A_93 = arith.cmpi slt, %rem3A_87, %lt3A_92 : vector<16xi32>
      %lt3A_94 = arith.constant 0 : i32
      %lt3A_95 = arith.cmpi slt, %select_n3A_85, %lt3A_94 : i32
      %ne3A_96 = vector.broadcast %lt3A_95 : i1 to vector<16xi1>
      %ne3A_97 = vector.broadcast %ne3A_96 : vector<16xi1> to vector<16xi1>
      %ne3A_98 = arith.xori %lt3A_93, %ne3A_97 : vector<16xi1>
      %and3A_99 = arith.andi %ne3A_98, %ne3A_90 : vector<16xi1>
      %add3A_100 = vector.broadcast %select_n3A_85 : i32 to vector<16xi32>
      %add3A_101 = arith.addi %rem3A_87, %add3A_100 : vector<16xi32>
      %select_n3A_102 = arith.select %and3A_99, %add3A_101, %rem3A_87 : vector<16xi1>, vector<16xi32>
      %mul3A = arith.constant 5 : i32
      %mul3A_103 = arith.muli %arg1, %mul3A : i32
      %get3A = arith.constant 0 : index
      %get3A_104 = tpu.vector_load %arg6[%get3A] {strides = array<i32>} : memref<80xf32, #tpu.memory_space<vmem>>, vector<16xf32>,
      %get3A_105 = vector.shape_cast %get3A_104 : vector<16xf32> to vector<16xf32>
      %add3A_106 = arith.constant -3.200000e+01 : f32
      %add3A_107 = vector.broadcast %add3A_106 : f32 to vector<16xf32>
      %add3A_108 = arith.addf %convert_element_type3A_8, %add3A_107 : vector<16xf32>
      %sub3A = arith.subf %get3A_105, %add3A_108 : vector<16xf32>
      %get3A_109 = arith.constant 16 : index
      %get3A_110 = tpu.vector_load %arg6[%get3A_109] {strides = array<i32>} : memref<80xf32, #tpu.memory_space<vmem>>, vector<16xf32>,
      %get3A_111 = vector.shape_cast %get3A_110 : vector<16xf32> to vector<16xf32>
      %add3A_112 = arith.constant -1.600000e+01 : f32
      %add3A_113 = vector.broadcast %add3A_112 : f32 to vector<16xf32>
      %add3A_114 = arith.addf %convert_element_type3A_8, %add3A_113 : vector<16xf32>
      %sub3A_115 = arith.subf %get3A_111, %add3A_114 : vector<16xf32>
      %get3A_116 = arith.constant 32 : index
      %get3A_117 = tpu.vector_load %arg6[%get3A_116] {strides = array<i32>} : memref<80xf32, #tpu.memory_space<vmem>>, vector<16xf32>,
      %get3A_118 = vector.shape_cast %get3A_117 : vector<16xf32> to vector<16xf32>
      %add3A_119 = arith.constant 0.000000e+00 : f32
      %add3A_120 = vector.broadcast %add3A_119 : f32 to vector<16xf32>
      %add3A_121 = arith.addf %convert_element_type3A_8, %add3A_120 : vector<16xf32>
      %sub3A_122 = arith.subf %get3A_118, %add3A_121 : vector<16xf32>
      %get3A_123 = arith.constant 48 : index
      %get3A_124 = tpu.vector_load %arg6[%get3A_123] {strides = array<i32>} : memref<80xf32, #tpu.memory_space<vmem>>, vector<16xf32>,
      %get3A_125 = vector.shape_cast %get3A_124 : vector<16xf32> to vector<16xf32>
      %add3A_126 = arith.constant 1.600000e+01 : f32
      %add3A_127 = vector.broadcast %add3A_126 : f32 to vector<16xf32>
      %add3A_128 = arith.addf %convert_element_type3A_8, %add3A_127 : vector<16xf32>
      %sub3A_129 = arith.subf %get3A_125, %add3A_128 : vector<16xf32>
      %get3A_130 = arith.constant 64 : index
      %get3A_131 = tpu.vector_load %arg6[%get3A_130] {strides = array<i32>} : memref<80xf32, #tpu.memory_space<vmem>>, vector<16xf32>,
      %get3A_132 = vector.shape_cast %get3A_131 : vector<16xf32> to vector<16xf32>
      %add3A_133 = arith.constant 3.200000e+01 : f32
      %add3A_134 = vector.broadcast %add3A_133 : f32 to vector<16xf32>
      %add3A_135 = arith.addf %convert_element_type3A_8, %add3A_134 : vector<16xf32>
      %sub3A_136 = arith.subf %get3A_132, %add3A_135 : vector<16xf32>
      %ge3A = arith.constant 1 : i32
      %ge3A_137 = vector.broadcast %ge3A : i32 to vector<16xi32>
      %ge3A_138 = arith.cmpi sge, %iota3A, %ge3A_137 : vector<16xi32>
      %add3A_139 = arith.constant 0 : i32
      %add3A_140 = arith.addi %mul3A_103, %add3A_139 : i32
      %get3A_141 = arith.index_cast %add3A_140 : i32 to index
      %get3A_142 = tpu.vector_load %arg6[%get3A_141] {strides = array<i32>} : memref<80xf32, #tpu.memory_space<vmem>>, vector<16xf32>,
      %get3A_143 = vector.shape_cast %get3A_142 : vector<16xf32> to vector<16xf32>
      %slice3A = vector.extract_strided_slice %get3A_143 {offsets = [0], sizes = [1], strides = [1]} : vector<16xf32> to vector<1xf32>
      %squeeze3A = vector.extract %slice3A[0] : f32 from vector<1xf32>
      %broadcast_in_dim3A_144 = arith.constant 0 : i32
      %broadcast_in_dim3A_145 = vector.broadcast %broadcast_in_dim3A_144 : i32 to vector<16xi32>
      %sub3A_146 = vector.broadcast %squeeze3A : f32 to vector<16xf32>
      %sub3A_147 = arith.subf %sub3A, %sub3A_146 : vector<16xf32>
      %abs3A = math.absf %sub3A_147 : vector<16xf32>
      %sub3A_148 = arith.constant 0 : i32
      %sub3A_149 = arith.subi %add3A_140, %sub3A_148 : i32
      %eq3A_150 = vector.broadcast %sub3A_149 : i32 to vector<16xi32>
      %eq3A_151 = arith.cmpi eq, %iota3A, %eq3A_150 : vector<16xi32>
      %select_n3A_152 = arith.select %eq3A_151, %broadcast_in_dim3A_9, %abs3A : vector<16xi1>, vector<16xf32>
      %lt3A_153 = arith.cmpf olt, %select_n3A_152, %broadcast_in_dim3A_9 : vector<16xf32>
      %select_n3A_154 = arith.select %lt3A_153, %select_n3A_152, %broadcast_in_dim3A_9 : vector<16xi1>, vector<16xf32>
      %add3A_155 = arith.constant 0 : i32
      %add3A_156 = vector.broadcast %add3A_155 : i32 to vector<16xi32>
      %add3A_157 = arith.addi %iota3A, %add3A_156 : vector<16xi32>
      %select_n3A_158 = arith.select %lt3A_153, %add3A_157, %broadcast_in_dim3A_145 : vector<16xi1>, vector<16xi32>
      %sub3A_159 = vector.broadcast %squeeze3A : f32 to vector<16xf32>
      %sub3A_160 = arith.subf %sub3A_115, %sub3A_159 : vector<16xf32>
      %abs3A_161 = math.absf %sub3A_160 : vector<16xf32>
      %sub3A_162 = arith.constant 16 : i32
      %sub3A_163 = arith.subi %add3A_140, %sub3A_162 : i32
      %eq3A_164 = vector.broadcast %sub3A_163 : i32 to vector<16xi32>
      %eq3A_165 = arith.cmpi eq, %iota3A, %eq3A_164 : vector<16xi32>
      %select_n3A_166 = arith.select %eq3A_165, %broadcast_in_dim3A_9, %abs3A_161 : vector<16xi1>, vector<16xf32>
      %lt3A_167 = arith.cmpf olt, %select_n3A_166, %select_n3A_154 : vector<16xf32>
      %select_n3A_168 = arith.select %lt3A_167, %select_n3A_166, %select_n3A_154 : vector<16xi1>, vector<16xf32>
      %add3A_169 = arith.constant 16 : i32
      %add3A_170 = vector.broadcast %add3A_169 : i32 to vector<16xi32>
      %add3A_171 = arith.addi %iota3A, %add3A_170 : vector<16xi32>
      %select_n3A_172 = arith.select %lt3A_167, %add3A_171, %select_n3A_158 : vector<16xi1>, vector<16xi32>
      %sub3A_173 = vector.broadcast %squeeze3A : f32 to vector<16xf32>
      %sub3A_174 = arith.subf %sub3A_122, %sub3A_173 : vector<16xf32>
      %abs3A_175 = math.absf %sub3A_174 : vector<16xf32>
      %sub3A_176 = arith.constant 32 : i32
      %sub3A_177 = arith.subi %add3A_140, %sub3A_176 : i32
      %eq3A_178 = vector.broadcast %sub3A_177 : i32 to vector<16xi32>
      %eq3A_179 = arith.cmpi eq, %iota3A, %eq3A_178 : vector<16xi32>
      %select_n3A_180 = arith.select %eq3A_179, %broadcast_in_dim3A_9, %abs3A_175 : vector<16xi1>, vector<16xf32>
      %lt3A_181 = arith.cmpf olt, %select_n3A_180, %select_n3A_168 : vector<16xf32>
      %select_n3A_182 = arith.select %lt3A_181, %select_n3A_180, %select_n3A_168 : vector<16xi1>, vector<16xf32>
      %add3A_183 = arith.constant 32 : i32
      %add3A_184 = vector.broadcast %add3A_183 : i32 to vector<16xi32>
      %add3A_185 = arith.addi %iota3A, %add3A_184 : vector<16xi32>
      %select_n3A_186 = arith.select %lt3A_181, %add3A_185, %select_n3A_172 : vector<16xi1>, vector<16xi32>
      %sub3A_187 = vector.broadcast %squeeze3A : f32 to vector<16xf32>
      %sub3A_188 = arith.subf %sub3A_129, %sub3A_187 : vector<16xf32>
      %abs3A_189 = math.absf %sub3A_188 : vector<16xf32>
      %sub3A_190 = arith.constant 48 : i32
      %sub3A_191 = arith.subi %add3A_140, %sub3A_190 : i32
      %eq3A_192 = vector.broadcast %sub3A_191 : i32 to vector<16xi32>
      %eq3A_193 = arith.cmpi eq, %iota3A, %eq3A_192 : vector<16xi32>
      %select_n3A_194 = arith.select %eq3A_193, %broadcast_in_dim3A_9, %abs3A_189 : vector<16xi1>, vector<16xf32>
      %lt3A_195 = arith.cmpf olt, %select_n3A_194, %select_n3A_182 : vector<16xf32>
      %select_n3A_196 = arith.select %lt3A_195, %select_n3A_194, %select_n3A_182 : vector<16xi1>, vector<16xf32>
      %add3A_197 = arith.constant 48 : i32
      %add3A_198 = vector.broadcast %add3A_197 : i32 to vector<16xi32>
      %add3A_199 = arith.addi %iota3A, %add3A_198 : vector<16xi32>
      %select_n3A_200 = arith.select %lt3A_195, %add3A_199, %select_n3A_186 : vector<16xi1>, vector<16xi32>
      %sub3A_201 = vector.broadcast %squeeze3A : f32 to vector<16xf32>
      %sub3A_202 = arith.subf %sub3A_136, %sub3A_201 : vector<16xf32>
      %abs3A_203 = math.absf %sub3A_202 : vector<16xf32>
      %sub3A_204 = arith.constant 64 : i32
      %sub3A_205 = arith.subi %add3A_140, %sub3A_204 : i32
      %eq3A_206 = vector.broadcast %sub3A_205 : i32 to vector<16xi32>
      %eq3A_207 = arith.cmpi eq, %iota3A, %eq3A_206 : vector<16xi32>
      %or3A = arith.ori %eq3A_207, %ge3A_138 : vector<16xi1>
      %select_n3A_208 = arith.select %or3A, %broadcast_in_dim3A_9, %abs3A_203 : vector<16xi1>, vector<16xf32>
      %lt3A_209 = arith.cmpf olt, %select_n3A_208, %select_n3A_196 : vector<16xf32>
      %select_n3A_210 = arith.select %lt3A_209, %select_n3A_208, %select_n3A_196 : vector<16xi1>, vector<16xf32>
      %add3A_211 = arith.constant 64 : i32
      %add3A_212 = vector.broadcast %add3A_211 : i32 to vector<16xi32>
      %add3A_213 = arith.addi %iota3A, %add3A_212 : vector<16xi32>
      %select_n3A_214 = arith.select %lt3A_209, %add3A_213, %select_n3A_200 : vector<16xi1>, vector<16xi32>
      %lt3A_215 = arith.constant 0 : i32
      %lt3A_216 = vector.broadcast %lt3A_215 : i32 to vector<16xi32>
      %lt3A_217 = arith.cmpi slt, %select_n3A_27, %lt3A_216 : vector<16xi32>
      %add3A_218 = arith.constant 16 : i32
      %add3A_219 = vector.broadcast %add3A_218 : i32 to vector<16xi32>
      %add3A_220 = arith.addi %select_n3A_27, %add3A_219 : vector<16xi32>
      %select_n3A_221 = arith.select %lt3A_217, %add3A_220, %select_n3A_27 : vector<16xi1>, vector<16xi32>
      %broadcast_in_dim3A_222 = vector.shape_cast %select_n3A_221 : vector<16xi32> to vector<16x1xi32>
      %gather3A = vector.shape_cast %broadcast_in_dim3A_222 : vector<16x1xi32> to vector<16xi32>
      %gather3A_223 = tpu.dynamic_gather %select_n3A_210[%gather3A] in [0] : vector<16xf32>, vector<16xi32> -> vector<16xf32>
      %lt3A_224 = arith.constant 0 : i32
      %lt3A_225 = vector.broadcast %lt3A_224 : i32 to vector<16xi32>
      %lt3A_226 = arith.cmpi slt, %select_n3A_27, %lt3A_225 : vector<16xi32>
      %add3A_227 = arith.constant 16 : i32
      %add3A_228 = vector.broadcast %add3A_227 : i32 to vector<16xi32>
      %add3A_229 = arith.addi %select_n3A_27, %add3A_228 : vector<16xi32>
      %select_n3A_230 = arith.select %lt3A_226, %add3A_229, %select_n3A_27 : vector<16xi1>, vector<16xi32>
      %broadcast_in_dim3A_231 = vector.shape_cast %select_n3A_230 : vector<16xi32> to vector<16x1xi32>
      %gather3A_232 = vector.shape_cast %broadcast_in_dim3A_231 : vector<16x1xi32> to vector<16xi32>
      %gather3A_233 = tpu.dynamic_gather %select_n3A_214[%gather3A_232] in [0] : vector<16xi32>, vector<16xi32> -> vector<16xi32>
      %lt3A_234 = arith.cmpf olt, %gather3A_223, %select_n3A_210 : vector<16xf32>
      %eq3A_235 = arith.cmpf oeq, %gather3A_223, %select_n3A_210 : vector<16xf32>
      %lt3A_236 = arith.cmpi slt, %gather3A_233, %select_n3A_214 : vector<16xi32>
      %and3A_237 = arith.andi %eq3A_235, %lt3A_236 : vector<16xi1>
      %select_n3A_238 = arith.select %lt3A_234, %gather3A_223, %select_n3A_210 : vector<16xi1>, vector<16xf32>
      %or3A_239 = arith.ori %lt3A_234, %and3A_237 : vector<16xi1>
      %select_n3A_240 = arith.select %or3A_239, %gather3A_233, %select_n3A_214 : vector<16xi1>, vector<16xi32>
      %lt3A_241 = arith.constant 0 : i32
      %lt3A_242 = vector.broadcast %lt3A_241 : i32 to vector<16xi32>
      %lt3A_243 = arith.cmpi slt, %select_n3A_52, %lt3A_242 : vector<16xi32>
      %add3A_244 = arith.constant 16 : i32
      %add3A_245 = vector.broadcast %add3A_244 : i32 to vector<16xi32>
      %add3A_246 = arith.addi %select_n3A_52, %add3A_245 : vector<16xi32>
      %select_n3A_247 = arith.select %lt3A_243, %add3A_246, %select_n3A_52 : vector<16xi1>, vector<16xi32>
      %broadcast_in_dim3A_248 = vector.shape_cast %select_n3A_247 : vector<16xi32> to vector<16x1xi32>
      %gather3A_249 = vector.shape_cast %broadcast_in_dim3A_248 : vector<16x1xi32> to vector<16xi32>
      %gather3A_250 = tpu.dynamic_gather %select_n3A_238[%gather3A_249] in [0] : vector<16xf32>, vector<16xi32> -> vector<16xf32>
      %lt3A_251 = arith.constant 0 : i32
      %lt3A_252 = vector.broadcast %lt3A_251 : i32 to vector<16xi32>
      %lt3A_253 = arith.cmpi slt, %select_n3A_52, %lt3A_252 : vector<16xi32>
      %add3A_254 = arith.constant 16 : i32
      %add3A_255 = vector.broadcast %add3A_254 : i32 to vector<16xi32>
      %add3A_256 = arith.addi %select_n3A_52, %add3A_255 : vector<16xi32>
      %select_n3A_257 = arith.select %lt3A_253, %add3A_256, %select_n3A_52 : vector<16xi1>, vector<16xi32>
      %broadcast_in_dim3A_258 = vector.shape_cast %select_n3A_257 : vector<16xi32> to vector<16x1xi32>
      %gather3A_259 = vector.shape_cast %broadcast_in_dim3A_258 : vector<16x1xi32> to vector<16xi32>
      %gather3A_260 = tpu.dynamic_gather %select_n3A_240[%gather3A_259] in [0] : vector<16xi32>, vector<16xi32> -> vector<16xi32>
      %lt3A_261 = arith.cmpf olt, %gather3A_250, %select_n3A_238 : vector<16xf32>
      %eq3A_262 = arith.cmpf oeq, %gather3A_250, %select_n3A_238 : vector<16xf32>
      %lt3A_263 = arith.cmpi slt, %gather3A_260, %select_n3A_240 : vector<16xi32>
      %and3A_264 = arith.andi %eq3A_262, %lt3A_263 : vector<16xi1>
      %select_n3A_265 = arith.select %lt3A_261, %gather3A_250, %select_n3A_238 : vector<16xi1>, vector<16xf32>
      %or3A_266 = arith.ori %lt3A_261, %and3A_264 : vector<16xi1>
      %select_n3A_267 = arith.select %or3A_266, %gather3A_260, %select_n3A_240 : vector<16xi1>, vector<16xi32>
      %lt3A_268 = arith.constant 0 : i32
      %lt3A_269 = vector.broadcast %lt3A_268 : i32 to vector<16xi32>
      %lt3A_270 = arith.cmpi slt, %select_n3A_77, %lt3A_269 : vector<16xi32>
      %add3A_271 = arith.constant 16 : i32
      %add3A_272 = vector.broadcast %add3A_271 : i32 to vector<16xi32>
      %add3A_273 = arith.addi %select_n3A_77, %add3A_272 : vector<16xi32>
      %select_n3A_274 = arith.select %lt3A_270, %add3A_273, %select_n3A_77 : vector<16xi1>, vector<16xi32>
      %broadcast_in_dim3A_275 = vector.shape_cast %select_n3A_274 : vector<16xi32> to vector<16x1xi32>
      %gather3A_276 = vector.shape_cast %broadcast_in_dim3A_275 : vector<16x1xi32> to vector<16xi32>
      %gather3A_277 = tpu.dynamic_gather %select_n3A_265[%gather3A_276] in [0] : vector<16xf32>, vector<16xi32> -> vector<16xf32>
      %lt3A_278 = arith.constant 0 : i32
      %lt3A_279 = vector.broadcast %lt3A_278 : i32 to vector<16xi32>
      %lt3A_280 = arith.cmpi slt, %select_n3A_77, %lt3A_279 : vector<16xi32>
      %add3A_281 = arith.constant 16 : i32
      %add3A_282 = vector.broadcast %add3A_281 : i32 to vector<16xi32>
      %add3A_283 = arith.addi %select_n3A_77, %add3A_282 : vector<16xi32>
      %select_n3A_284 = arith.select %lt3A_280, %add3A_283, %select_n3A_77 : vector<16xi1>, vector<16xi32>
      %broadcast_in_dim3A_285 = vector.shape_cast %select_n3A_284 : vector<16xi32> to vector<16x1xi32>
      %gather3A_286 = vector.shape_cast %broadcast_in_dim3A_285 : vector<16x1xi32> to vector<16xi32>
      %gather3A_287 = tpu.dynamic_gather %select_n3A_267[%gather3A_286] in [0] : vector<16xi32>, vector<16xi32> -> vector<16xi32>
      %lt3A_288 = arith.cmpf olt, %gather3A_277, %select_n3A_265 : vector<16xf32>
      %eq3A_289 = arith.cmpf oeq, %gather3A_277, %select_n3A_265 : vector<16xf32>
      %lt3A_290 = arith.cmpi slt, %gather3A_287, %select_n3A_267 : vector<16xi32>
      %and3A_291 = arith.andi %eq3A_289, %lt3A_290 : vector<16xi1>
      %select_n3A_292 = arith.select %lt3A_288, %gather3A_277, %select_n3A_265 : vector<16xi1>, vector<16xf32>
      %or3A_293 = arith.ori %lt3A_288, %and3A_291 : vector<16xi1>
      %select_n3A_294 = arith.select %or3A_293, %gather3A_287, %select_n3A_267 : vector<16xi1>, vector<16xi32>
      %lt3A_295 = arith.constant 0 : i32
      %lt3A_296 = vector.broadcast %lt3A_295 : i32 to vector<16xi32>
      %lt3A_297 = arith.cmpi slt, %select_n3A_102, %lt3A_296 : vector<16xi32>
      %add3A_298 = arith.constant 16 : i32
      %add3A_299 = vector.broadcast %add3A_298 : i32 to vector<16xi32>
      %add3A_300 = arith.addi %select_n3A_102, %add3A_299 : vector<16xi32>
      %select_n3A_301 = arith.select %lt3A_297, %add3A_300, %select_n3A_102 : vector<16xi1>, vector<16xi32>
      %broadcast_in_dim3A_302 = vector.shape_cast %select_n3A_301 : vector<16xi32> to vector<16x1xi32>
      %gather3A_303 = vector.shape_cast %broadcast_in_dim3A_302 : vector<16x1xi32> to vector<16xi32>
      %gather3A_304 = tpu.dynamic_gather %select_n3A_292[%gather3A_303] in [0] : vector<16xf32>, vector<16xi32> -> vector<16xf32>
      %lt3A_305 = arith.constant 0 : i32
      %lt3A_306 = vector.broadcast %lt3A_305 : i32 to vector<16xi32>
      %lt3A_307 = arith.cmpi slt, %select_n3A_102, %lt3A_306 : vector<16xi32>
      %add3A_308 = arith.constant 16 : i32
      %add3A_309 = vector.broadcast %add3A_308 : i32 to vector<16xi32>
      %add3A_310 = arith.addi %select_n3A_102, %add3A_309 : vector<16xi32>
      %select_n3A_311 = arith.select %lt3A_307, %add3A_310, %select_n3A_102 : vector<16xi1>, vector<16xi32>
      %broadcast_in_dim3A_312 = vector.shape_cast %select_n3A_311 : vector<16xi32> to vector<16x1xi32>
      %gather3A_313 = vector.shape_cast %broadcast_in_dim3A_312 : vector<16x1xi32> to vector<16xi32>
      %gather3A_314 = tpu.dynamic_gather %select_n3A_294[%gather3A_313] in [0] : vector<16xi32>, vector<16xi32> -> vector<16xi32>
      %lt3A_315 = arith.cmpf olt, %gather3A_304, %select_n3A_292 : vector<16xf32>
      %eq3A_316 = arith.cmpf oeq, %gather3A_304, %select_n3A_292 : vector<16xf32>
      %lt3A_317 = arith.cmpi slt, %gather3A_314, %select_n3A_294 : vector<16xi32>
      %and3A_318 = arith.andi %eq3A_316, %lt3A_317 : vector<16xi1>
      %select_n3A_319 = arith.select %lt3A_315, %gather3A_304, %select_n3A_292 : vector<16xi1>, vector<16xf32>
      %or3A_320 = arith.ori %lt3A_315, %and3A_318 : vector<16xi1>
      %select_n3A_321 = arith.select %or3A_320, %gather3A_314, %select_n3A_294 : vector<16xi1>, vector<16xi32>
      %slice3A_322 = vector.extract_strided_slice %select_n3A_321 {offsets = [0], sizes = [1], strides = [1]} : vector<16xi32> to vector<1xi32>
      %squeeze3A_323 = vector.extract %slice3A_322[0] : i32 from vector<1xi32>
      %add3A_324 = arith.constant 1 : i32
      %add3A_325 = arith.addi %mul3A_103, %add3A_324 : i32
      %get3A_326 = arith.index_cast %add3A_325 : i32 to index
      %get3A_327 = tpu.vector_load %arg6[%get3A_326] {strides = array<i32>} : memref<80xf32, #tpu.memory_space<vmem>>, vector<16xf32>,
      %get3A_328 = vector.shape_cast %get3A_327 : vector<16xf32> to vector<16xf32>
      %slice3A_329 = vector.extract_strided_slice %get3A_328 {offsets = [0], sizes = [1], strides = [1]} : vector<16xf32> to vector<1xf32>
      %squeeze3A_330 = vector.extract %slice3A_329[0] : f32 from vector<1xf32>
      %broadcast_in_dim3A_331 = arith.constant 0 : i32
      %broadcast_in_dim3A_332 = vector.broadcast %broadcast_in_dim3A_331 : i32 to vector<16xi32>
      %sub3A_333 = vector.broadcast %squeeze3A_330 : f32 to vector<16xf32>
      %sub3A_334 = arith.subf %sub3A, %sub3A_333 : vector<16xf32>
      %abs3A_335 = math.absf %sub3A_334 : vector<16xf32>
      %sub3A_336 = arith.constant 0 : i32
      %sub3A_337 = arith.subi %add3A_325, %sub3A_336 : i32
      %eq3A_338 = vector.broadcast %sub3A_337 : i32 to vector<16xi32>
      %eq3A_339 = arith.cmpi eq, %iota3A, %eq3A_338 : vector<16xi32>
      %select_n3A_340 = arith.select %eq3A_339, %broadcast_in_dim3A_9, %abs3A_335 : vector<16xi1>, vector<16xf32>
      %lt3A_341 = arith.cmpf olt, %select_n3A_340, %broadcast_in_dim3A_9 : vector<16xf32>
      %select_n3A_342 = arith.select %lt3A_341, %select_n3A_340, %broadcast_in_dim3A_9 : vector<16xi1>, vector<16xf32>
      %add3A_343 = arith.constant 0 : i32
      %add3A_344 = vector.broadcast %add3A_343 : i32 to vector<16xi32>
      %add3A_345 = arith.addi %iota3A, %add3A_344 : vector<16xi32>
      %select_n3A_346 = arith.select %lt3A_341, %add3A_345, %broadcast_in_dim3A_332 : vector<16xi1>, vector<16xi32>
      %sub3A_347 = vector.broadcast %squeeze3A_330 : f32 to vector<16xf32>
      %sub3A_348 = arith.subf %sub3A_115, %sub3A_347 : vector<16xf32>
      %abs3A_349 = math.absf %sub3A_348 : vector<16xf32>
      %sub3A_350 = arith.constant 16 : i32
      %sub3A_351 = arith.subi %add3A_325, %sub3A_350 : i32
      %eq3A_352 = vector.broadcast %sub3A_351 : i32 to vector<16xi32>
      %eq3A_353 = arith.cmpi eq, %iota3A, %eq3A_352 : vector<16xi32>
      %select_n3A_354 = arith.select %eq3A_353, %broadcast_in_dim3A_9, %abs3A_349 : vector<16xi1>, vector<16xf32>
      %lt3A_355 = arith.cmpf olt, %select_n3A_354, %select_n3A_342 : vector<16xf32>
      %select_n3A_356 = arith.select %lt3A_355, %select_n3A_354, %select_n3A_342 : vector<16xi1>, vector<16xf32>
      %add3A_357 = arith.constant 16 : i32
      %add3A_358 = vector.broadcast %add3A_357 : i32 to vector<16xi32>
      %add3A_359 = arith.addi %iota3A, %add3A_358 : vector<16xi32>
      %select_n3A_360 = arith.select %lt3A_355, %add3A_359, %select_n3A_346 : vector<16xi1>, vector<16xi32>
      %sub3A_361 = vector.broadcast %squeeze3A_330 : f32 to vector<16xf32>
      %sub3A_362 = arith.subf %sub3A_122, %sub3A_361 : vector<16xf32>
      %abs3A_363 = math.absf %sub3A_362 : vector<16xf32>
      %sub3A_364 = arith.constant 32 : i32
      %sub3A_365 = arith.subi %add3A_325, %sub3A_364 : i32
      %eq3A_366 = vector.broadcast %sub3A_365 : i32 to vector<16xi32>
      %eq3A_367 = arith.cmpi eq, %iota3A, %eq3A_366 : vector<16xi32>
      %select_n3A_368 = arith.select %eq3A_367, %broadcast_in_dim3A_9, %abs3A_363 : vector<16xi1>, vector<16xf32>
      %lt3A_369 = arith.cmpf olt, %select_n3A_368, %select_n3A_356 : vector<16xf32>
      %select_n3A_370 = arith.select %lt3A_369, %select_n3A_368, %select_n3A_356 : vector<16xi1>, vector<16xf32>
      %add3A_371 = arith.constant 32 : i32
      %add3A_372 = vector.broadcast %add3A_371 : i32 to vector<16xi32>
      %add3A_373 = arith.addi %iota3A, %add3A_372 : vector<16xi32>
      %select_n3A_374 = arith.select %lt3A_369, %add3A_373, %select_n3A_360 : vector<16xi1>, vector<16xi32>
      %sub3A_375 = vector.broadcast %squeeze3A_330 : f32 to vector<16xf32>
      %sub3A_376 = arith.subf %sub3A_129, %sub3A_375 : vector<16xf32>
      %abs3A_377 = math.absf %sub3A_376 : vector<16xf32>
      %sub3A_378 = arith.constant 48 : i32
      %sub3A_379 = arith.subi %add3A_325, %sub3A_378 : i32
      %eq3A_380 = vector.broadcast %sub3A_379 : i32 to vector<16xi32>
      %eq3A_381 = arith.cmpi eq, %iota3A, %eq3A_380 : vector<16xi32>
      %select_n3A_382 = arith.select %eq3A_381, %broadcast_in_dim3A_9, %abs3A_377 : vector<16xi1>, vector<16xf32>
      %lt3A_383 = arith.cmpf olt, %select_n3A_382, %select_n3A_370 : vector<16xf32>
      %select_n3A_384 = arith.select %lt3A_383, %select_n3A_382, %select_n3A_370 : vector<16xi1>, vector<16xf32>
      %add3A_385 = arith.constant 48 : i32
      %add3A_386 = vector.broadcast %add3A_385 : i32 to vector<16xi32>
      %add3A_387 = arith.addi %iota3A, %add3A_386 : vector<16xi32>
      %select_n3A_388 = arith.select %lt3A_383, %add3A_387, %select_n3A_374 : vector<16xi1>, vector<16xi32>
      %sub3A_389 = vector.broadcast %squeeze3A_330 : f32 to vector<16xf32>
      %sub3A_390 = arith.subf %sub3A_136, %sub3A_389 : vector<16xf32>
      %abs3A_391 = math.absf %sub3A_390 : vector<16xf32>
      %sub3A_392 = arith.constant 64 : i32
      %sub3A_393 = arith.subi %add3A_325, %sub3A_392 : i32
      %eq3A_394 = vector.broadcast %sub3A_393 : i32 to vector<16xi32>
      %eq3A_395 = arith.cmpi eq, %iota3A, %eq3A_394 : vector<16xi32>
      %or3A_396 = arith.ori %eq3A_395, %ge3A_138 : vector<16xi1>
      %select_n3A_397 = arith.select %or3A_396, %broadcast_in_dim3A_9, %abs3A_391 : vector<16xi1>, vector<16xf32>
      %lt3A_398 = arith.cmpf olt, %select_n3A_397, %select_n3A_384 : vector<16xf32>
      %select_n3A_399 = arith.select %lt3A_398, %select_n3A_397, %select_n3A_384 : vector<16xi1>, vector<16xf32>
      %add3A_400 = arith.constant 64 : i32
      %add3A_401 = vector.broadcast %add3A_400 : i32 to vector<16xi32>
      %add3A_402 = arith.addi %iota3A, %add3A_401 : vector<16xi32>
      %select_n3A_403 = arith.select %lt3A_398, %add3A_402, %select_n3A_388 : vector<16xi1>, vector<16xi32>
      %lt3A_404 = arith.constant 0 : i32
      %lt3A_405 = vector.broadcast %lt3A_404 : i32 to vector<16xi32>
      %lt3A_406 = arith.cmpi slt, %select_n3A_27, %lt3A_405 : vector<16xi32>
      %add3A_407 = arith.constant 16 : i32
      %add3A_408 = vector.broadcast %add3A_407 : i32 to vector<16xi32>
      %add3A_409 = arith.addi %select_n3A_27, %add3A_408 : vector<16xi32>
      %select_n3A_410 = arith.select %lt3A_406, %add3A_409, %select_n3A_27 : vector<16xi1>, vector<16xi32>
      %broadcast_in_dim3A_411 = vector.shape_cast %select_n3A_410 : vector<16xi32> to vector<16x1xi32>
      %gather3A_412 = vector.shape_cast %broadcast_in_dim3A_411 : vector<16x1xi32> to vector<16xi32>
      %gather3A_413 = tpu.dynamic_gather %select_n3A_399[%gather3A_412] in [0] : vector<16xf32>, vector<16xi32> -> vector<16xf32>
      %lt3A_414 = arith.constant 0 : i32
      %lt3A_415 = vector.broadcast %lt3A_414 : i32 to vector<16xi32>
      %lt3A_416 = arith.cmpi slt, %select_n3A_27, %lt3A_415 : vector<16xi32>
      %add3A_417 = arith.constant 16 : i32
      %add3A_418 = vector.broadcast %add3A_417 : i32 to vector<16xi32>
      %add3A_419 = arith.addi %select_n3A_27, %add3A_418 : vector<16xi32>
      %select_n3A_420 = arith.select %lt3A_416, %add3A_419, %select_n3A_27 : vector<16xi1>, vector<16xi32>
      %broadcast_in_dim3A_421 = vector.shape_cast %select_n3A_420 : vector<16xi32> to vector<16x1xi32>
      %gather3A_422 = vector.shape_cast %broadcast_in_dim3A_421 : vector<16x1xi32> to vector<16xi32>
      %gather3A_423 = tpu.dynamic_gather %select_n3A_403[%gather3A_422] in [0] : vector<16xi32>, vector<16xi32> -> vector<16xi32>
      %lt3A_424 = arith.cmpf olt, %gather3A_413, %select_n3A_399 : vector<16xf32>
      %eq3A_425 = arith.cmpf oeq, %gather3A_413, %select_n3A_399 : vector<16xf32>
      %lt3A_426 = arith.cmpi slt, %gather3A_423, %select_n3A_403 : vector<16xi32>
      %and3A_427 = arith.andi %eq3A_425, %lt3A_426 : vector<16xi1>
      %select_n3A_428 = arith.select %lt3A_424, %gather3A_413, %select_n3A_399 : vector<16xi1>, vector<16xf32>
      %or3A_429 = arith.ori %lt3A_424, %and3A_427 : vector<16xi1>
      %select_n3A_430 = arith.select %or3A_429, %gather3A_423, %select_n3A_403 : vector<16xi1>, vector<16xi32>
      %lt3A_431 = arith.constant 0 : i32
      %lt3A_432 = vector.broadcast %lt3A_431 : i32 to vector<16xi32>
      %lt3A_433 = arith.cmpi slt, %select_n3A_52, %lt3A_432 : vector<16xi32>
      %add3A_434 = arith.constant 16 : i32
      %add3A_435 = vector.broadcast %add3A_434 : i32 to vector<16xi32>
      %add3A_436 = arith.addi %select_n3A_52, %add3A_435 : vector<16xi32>
      %select_n3A_437 = arith.select %lt3A_433, %add3A_436, %select_n3A_52 : vector<16xi1>, vector<16xi32>
      %broadcast_in_dim3A_438 = vector.shape_cast %select_n3A_437 : vector<16xi32> to vector<16x1xi32>
      %gather3A_439 = vector.shape_cast %broadcast_in_dim3A_438 : vector<16x1xi32> to vector<16xi32>
      %gather3A_440 = tpu.dynamic_gather %select_n3A_428[%gather3A_439] in [0] : vector<16xf32>, vector<16xi32> -> vector<16xf32>
      %lt3A_441 = arith.constant 0 : i32
      %lt3A_442 = vector.broadcast %lt3A_441 : i32 to vector<16xi32>
      %lt3A_443 = arith.cmpi slt, %select_n3A_52, %lt3A_442 : vector<16xi32>
      %add3A_444 = arith.constant 16 : i32
      %add3A_445 = vector.broadcast %add3A_444 : i32 to vector<16xi32>
      %add3A_446 = arith.addi %select_n3A_52, %add3A_445 : vector<16xi32>
      %select_n3A_447 = arith.select %lt3A_443, %add3A_446, %select_n3A_52 : vector<16xi1>, vector<16xi32>
      %broadcast_in_dim3A_448 = vector.shape_cast %select_n3A_447 : vector<16xi32> to vector<16x1xi32>
      %gather3A_449 = vector.shape_cast %broadcast_in_dim3A_448 : vector<16x1xi32> to vector<16xi32>
      %gather3A_450 = tpu.dynamic_gather %select_n3A_430[%gather3A_449] in [0] : vector<16xi32>, vector<16xi32> -> vector<16xi32>
      %lt3A_451 = arith.cmpf olt, %gather3A_440, %select_n3A_428 : vector<16xf32>
      %eq3A_452 = arith.cmpf oeq, %gather3A_440, %select_n3A_428 : vector<16xf32>
      %lt3A_453 = arith.cmpi slt, %gather3A_450, %select_n3A_430 : vector<16xi32>
      %and3A_454 = arith.andi %eq3A_452, %lt3A_453 : vector<16xi1>
      %select_n3A_455 = arith.select %lt3A_451, %gather3A_440, %select_n3A_428 : vector<16xi1>, vector<16xf32>
      %or3A_456 = arith.ori %lt3A_451, %and3A_454 : vector<16xi1>
      %select_n3A_457 = arith.select %or3A_456, %gather3A_450, %select_n3A_430 : vector<16xi1>, vector<16xi32>
      %lt3A_458 = arith.constant 0 : i32
      %lt3A_459 = vector.broadcast %lt3A_458 : i32 to vector<16xi32>
      %lt3A_460 = arith.cmpi slt, %select_n3A_77, %lt3A_459 : vector<16xi32>
      %add3A_461 = arith.constant 16 : i32
      %add3A_462 = vector.broadcast %add3A_461 : i32 to vector<16xi32>
      %add3A_463 = arith.addi %select_n3A_77, %add3A_462 : vector<16xi32>
      %select_n3A_464 = arith.select %lt3A_460, %add3A_463, %select_n3A_77 : vector<16xi1>, vector<16xi32>
      %broadcast_in_dim3A_465 = vector.shape_cast %select_n3A_464 : vector<16xi32> to vector<16x1xi32>
      %gather3A_466 = vector.shape_cast %broadcast_in_dim3A_465 : vector<16x1xi32> to vector<16xi32>
      %gather3A_467 = tpu.dynamic_gather %select_n3A_455[%gather3A_466] in [0] : vector<16xf32>, vector<16xi32> -> vector<16xf32>
      %lt3A_468 = arith.constant 0 : i32
      %lt3A_469 = vector.broadcast %lt3A_468 : i32 to vector<16xi32>
      %lt3A_470 = arith.cmpi slt, %select_n3A_77, %lt3A_469 : vector<16xi32>
      %add3A_471 = arith.constant 16 : i32
      %add3A_472 = vector.broadcast %add3A_471 : i32 to vector<16xi32>
      %add3A_473 = arith.addi %select_n3A_77, %add3A_472 : vector<16xi32>
      %select_n3A_474 = arith.select %lt3A_470, %add3A_473, %select_n3A_77 : vector<16xi1>, vector<16xi32>
      %broadcast_in_dim3A_475 = vector.shape_cast %select_n3A_474 : vector<16xi32> to vector<16x1xi32>
      %gather3A_476 = vector.shape_cast %broadcast_in_dim3A_475 : vector<16x1xi32> to vector<16xi32>
      %gather3A_477 = tpu.dynamic_gather %select_n3A_457[%gather3A_476] in [0] : vector<16xi32>, vector<16xi32> -> vector<16xi32>
      %lt3A_478 = arith.cmpf olt, %gather3A_467, %select_n3A_455 : vector<16xf32>
      %eq3A_479 = arith.cmpf oeq, %gather3A_467, %select_n3A_455 : vector<16xf32>
      %lt3A_480 = arith.cmpi slt, %gather3A_477, %select_n3A_457 : vector<16xi32>
      %and3A_481 = arith.andi %eq3A_479, %lt3A_480 : vector<16xi1>
      %select_n3A_482 = arith.select %lt3A_478, %gather3A_467, %select_n3A_455 : vector<16xi1>, vector<16xf32>
      %or3A_483 = arith.ori %lt3A_478, %and3A_481 : vector<16xi1>
      %select_n3A_484 = arith.select %or3A_483, %gather3A_477, %select_n3A_457 : vector<16xi1>, vector<16xi32>
      %lt3A_485 = arith.constant 0 : i32
      %lt3A_486 = vector.broadcast %lt3A_485 : i32 to vector<16xi32>
      %lt3A_487 = arith.cmpi slt, %select_n3A_102, %lt3A_486 : vector<16xi32>
      %add3A_488 = arith.constant 16 : i32
      %add3A_489 = vector.broadcast %add3A_488 : i32 to vector<16xi32>
      %add3A_490 = arith.addi %select_n3A_102, %add3A_489 : vector<16xi32>
      %select_n3A_491 = arith.select %lt3A_487, %add3A_490, %select_n3A_102 : vector<16xi1>, vector<16xi32>
      %broadcast_in_dim3A_492 = vector.shape_cast %select_n3A_491 : vector<16xi32> to vector<16x1xi32>
      %gather3A_493 = vector.shape_cast %broadcast_in_dim3A_492 : vector<16x1xi32> to vector<16xi32>
      %gather3A_494 = tpu.dynamic_gather %select_n3A_482[%gather3A_493] in [0] : vector<16xf32>, vector<16xi32> -> vector<16xf32>
      %lt3A_495 = arith.constant 0 : i32
      %lt3A_496 = vector.broadcast %lt3A_495 : i32 to vector<16xi32>
      %lt3A_497 = arith.cmpi slt, %select_n3A_102, %lt3A_496 : vector<16xi32>
      %add3A_498 = arith.constant 16 : i32
      %add3A_499 = vector.broadcast %add3A_498 : i32 to vector<16xi32>
      %add3A_500 = arith.addi %select_n3A_102, %add3A_499 : vector<16xi32>
      %select_n3A_501 = arith.select %lt3A_497, %add3A_500, %select_n3A_102 : vector<16xi1>, vector<16xi32>
      %broadcast_in_dim3A_502 = vector.shape_cast %select_n3A_501 : vector<16xi32> to vector<16x1xi32>
      %gather3A_503 = vector.shape_cast %broadcast_in_dim3A_502 : vector<16x1xi32> to vector<16xi32>
      %gather3A_504 = tpu.dynamic_gather %select_n3A_484[%gather3A_503] in [0] : vector<16xi32>, vector<16xi32> -> vector<16xi32>
      %lt3A_505 = arith.cmpf olt, %gather3A_494, %select_n3A_482 : vector<16xf32>
      %eq3A_506 = arith.cmpf oeq, %gather3A_494, %select_n3A_482 : vector<16xf32>
      %lt3A_507 = arith.cmpi slt, %gather3A_504, %select_n3A_484 : vector<16xi32>
      %and3A_508 = arith.andi %eq3A_506, %lt3A_507 : vector<16xi1>
      %select_n3A_509 = arith.select %lt3A_505, %gather3A_494, %select_n3A_482 : vector<16xi1>, vector<16xf32>
      %or3A_510 = arith.ori %lt3A_505, %and3A_508 : vector<16xi1>
      %select_n3A_511 = arith.select %or3A_510, %gather3A_504, %select_n3A_484 : vector<16xi1>, vector<16xi32>
      %slice3A_512 = vector.extract_strided_slice %select_n3A_511 {offsets = [0], sizes = [1], strides = [1]} : vector<16xi32> to vector<1xi32>
      %squeeze3A_513 = vector.extract %slice3A_512[0] : i32 from vector<1xi32>
      %add3A_514 = arith.constant 2 : i32
      %add3A_515 = arith.addi %mul3A_103, %add3A_514 : i32
      %get3A_516 = arith.index_cast %add3A_515 : i32 to index
      %get3A_517 = tpu.vector_load %arg6[%get3A_516] {strides = array<i32>} : memref<80xf32, #tpu.memory_space<vmem>>, vector<16xf32>,
      %get3A_518 = vector.shape_cast %get3A_517 : vector<16xf32> to vector<16xf32>
      %slice3A_519 = vector.extract_strided_slice %get3A_518 {offsets = [0], sizes = [1], strides = [1]} : vector<16xf32> to vector<1xf32>
      %squeeze3A_520 = vector.extract %slice3A_519[0] : f32 from vector<1xf32>
      %broadcast_in_dim3A_521 = arith.constant 0 : i32
      %broadcast_in_dim3A_522 = vector.broadcast %broadcast_in_dim3A_521 : i32 to vector<16xi32>
      %sub3A_523 = vector.broadcast %squeeze3A_520 : f32 to vector<16xf32>
      %sub3A_524 = arith.subf %sub3A, %sub3A_523 : vector<16xf32>
      %abs3A_525 = math.absf %sub3A_524 : vector<16xf32>
      %sub3A_526 = arith.constant 0 : i32
      %sub3A_527 = arith.subi %add3A_515, %sub3A_526 : i32
      %eq3A_528 = vector.broadcast %sub3A_527 : i32 to vector<16xi32>
      %eq3A_529 = arith.cmpi eq, %iota3A, %eq3A_528 : vector<16xi32>
      %select_n3A_530 = arith.select %eq3A_529, %broadcast_in_dim3A_9, %abs3A_525 : vector<16xi1>, vector<16xf32>
      %lt3A_531 = arith.cmpf olt, %select_n3A_530, %broadcast_in_dim3A_9 : vector<16xf32>
      %select_n3A_532 = arith.select %lt3A_531, %select_n3A_530, %broadcast_in_dim3A_9 : vector<16xi1>, vector<16xf32>
      %add3A_533 = arith.constant 0 : i32
      %add3A_534 = vector.broadcast %add3A_533 : i32 to vector<16xi32>
      %add3A_535 = arith.addi %iota3A, %add3A_534 : vector<16xi32>
      %select_n3A_536 = arith.select %lt3A_531, %add3A_535, %broadcast_in_dim3A_522 : vector<16xi1>, vector<16xi32>
      %sub3A_537 = vector.broadcast %squeeze3A_520 : f32 to vector<16xf32>
      %sub3A_538 = arith.subf %sub3A_115, %sub3A_537 : vector<16xf32>
      %abs3A_539 = math.absf %sub3A_538 : vector<16xf32>
      %sub3A_540 = arith.constant 16 : i32
      %sub3A_541 = arith.subi %add3A_515, %sub3A_540 : i32
      %eq3A_542 = vector.broadcast %sub3A_541 : i32 to vector<16xi32>
      %eq3A_543 = arith.cmpi eq, %iota3A, %eq3A_542 : vector<16xi32>
      %select_n3A_544 = arith.select %eq3A_543, %broadcast_in_dim3A_9, %abs3A_539 : vector<16xi1>, vector<16xf32>
      %lt3A_545 = arith.cmpf olt, %select_n3A_544, %select_n3A_532 : vector<16xf32>
      %select_n3A_546 = arith.select %lt3A_545, %select_n3A_544, %select_n3A_532 : vector<16xi1>, vector<16xf32>
      %add3A_547 = arith.constant 16 : i32
      %add3A_548 = vector.broadcast %add3A_547 : i32 to vector<16xi32>
      %add3A_549 = arith.addi %iota3A, %add3A_548 : vector<16xi32>
      %select_n3A_550 = arith.select %lt3A_545, %add3A_549, %select_n3A_536 : vector<16xi1>, vector<16xi32>
      %sub3A_551 = vector.broadcast %squeeze3A_520 : f32 to vector<16xf32>
      %sub3A_552 = arith.subf %sub3A_122, %sub3A_551 : vector<16xf32>
      %abs3A_553 = math.absf %sub3A_552 : vector<16xf32>
      %sub3A_554 = arith.constant 32 : i32
      %sub3A_555 = arith.subi %add3A_515, %sub3A_554 : i32
      %eq3A_556 = vector.broadcast %sub3A_555 : i32 to vector<16xi32>
      %eq3A_557 = arith.cmpi eq, %iota3A, %eq3A_556 : vector<16xi32>
      %select_n3A_558 = arith.select %eq3A_557, %broadcast_in_dim3A_9, %abs3A_553 : vector<16xi1>, vector<16xf32>
      %lt3A_559 = arith.cmpf olt, %select_n3A_558, %select_n3A_546 : vector<16xf32>
      %select_n3A_560 = arith.select %lt3A_559, %select_n3A_558, %select_n3A_546 : vector<16xi1>, vector<16xf32>
      %add3A_561 = arith.constant 32 : i32
      %add3A_562 = vector.broadcast %add3A_561 : i32 to vector<16xi32>
      %add3A_563 = arith.addi %iota3A, %add3A_562 : vector<16xi32>
      %select_n3A_564 = arith.select %lt3A_559, %add3A_563, %select_n3A_550 : vector<16xi1>, vector<16xi32>
      %sub3A_565 = vector.broadcast %squeeze3A_520 : f32 to vector<16xf32>
      %sub3A_566 = arith.subf %sub3A_129, %sub3A_565 : vector<16xf32>
      %abs3A_567 = math.absf %sub3A_566 : vector<16xf32>
      %sub3A_568 = arith.constant 48 : i32
      %sub3A_569 = arith.subi %add3A_515, %sub3A_568 : i32
      %eq3A_570 = vector.broadcast %sub3A_569 : i32 to vector<16xi32>
      %eq3A_571 = arith.cmpi eq, %iota3A, %eq3A_570 : vector<16xi32>
      %select_n3A_572 = arith.select %eq3A_571, %broadcast_in_dim3A_9, %abs3A_567 : vector<16xi1>, vector<16xf32>
      %lt3A_573 = arith.cmpf olt, %select_n3A_572, %select_n3A_560 : vector<16xf32>
      %select_n3A_574 = arith.select %lt3A_573, %select_n3A_572, %select_n3A_560 : vector<16xi1>, vector<16xf32>
      %add3A_575 = arith.constant 48 : i32
      %add3A_576 = vector.broadcast %add3A_575 : i32 to vector<16xi32>
      %add3A_577 = arith.addi %iota3A, %add3A_576 : vector<16xi32>
      %select_n3A_578 = arith.select %lt3A_573, %add3A_577, %select_n3A_564 : vector<16xi1>, vector<16xi32>
      %sub3A_579 = vector.broadcast %squeeze3A_520 : f32 to vector<16xf32>
      %sub3A_580 = arith.subf %sub3A_136, %sub3A_579 : vector<16xf32>
      %abs3A_581 = math.absf %sub3A_580 : vector<16xf32>
      %sub3A_582 = arith.constant 64 : i32
      %sub3A_583 = arith.subi %add3A_515, %sub3A_582 : i32
      %eq3A_584 = vector.broadcast %sub3A_583 : i32 to vector<16xi32>
      %eq3A_585 = arith.cmpi eq, %iota3A, %eq3A_584 : vector<16xi32>
      %or3A_586 = arith.ori %eq3A_585, %ge3A_138 : vector<16xi1>
      %select_n3A_587 = arith.select %or3A_586, %broadcast_in_dim3A_9, %abs3A_581 : vector<16xi1>, vector<16xf32>
      %lt3A_588 = arith.cmpf olt, %select_n3A_587, %select_n3A_574 : vector<16xf32>
      %select_n3A_589 = arith.select %lt3A_588, %select_n3A_587, %select_n3A_574 : vector<16xi1>, vector<16xf32>
      %add3A_590 = arith.constant 64 : i32
      %add3A_591 = vector.broadcast %add3A_590 : i32 to vector<16xi32>
      %add3A_592 = arith.addi %iota3A, %add3A_591 : vector<16xi32>
      %select_n3A_593 = arith.select %lt3A_588, %add3A_592, %select_n3A_578 : vector<16xi1>, vector<16xi32>
      %lt3A_594 = arith.constant 0 : i32
      %lt3A_595 = vector.broadcast %lt3A_594 : i32 to vector<16xi32>
      %lt3A_596 = arith.cmpi slt, %select_n3A_27, %lt3A_595 : vector<16xi32>
      %add3A_597 = arith.constant 16 : i32
      %add3A_598 = vector.broadcast %add3A_597 : i32 to vector<16xi32>
      %add3A_599 = arith.addi %select_n3A_27, %add3A_598 : vector<16xi32>
      %select_n3A_600 = arith.select %lt3A_596, %add3A_599, %select_n3A_27 : vector<16xi1>, vector<16xi32>
      %broadcast_in_dim3A_601 = vector.shape_cast %select_n3A_600 : vector<16xi32> to vector<16x1xi32>
      %gather3A_602 = vector.shape_cast %broadcast_in_dim3A_601 : vector<16x1xi32> to vector<16xi32>
      %gather3A_603 = tpu.dynamic_gather %select_n3A_589[%gather3A_602] in [0] : vector<16xf32>, vector<16xi32> -> vector<16xf32>
      %lt3A_604 = arith.constant 0 : i32
      %lt3A_605 = vector.broadcast %lt3A_604 : i32 to vector<16xi32>
      %lt3A_606 = arith.cmpi slt, %select_n3A_27, %lt3A_605 : vector<16xi32>
      %add3A_607 = arith.constant 16 : i32
      %add3A_608 = vector.broadcast %add3A_607 : i32 to vector<16xi32>
      %add3A_609 = arith.addi %select_n3A_27, %add3A_608 : vector<16xi32>
      %select_n3A_610 = arith.select %lt3A_606, %add3A_609, %select_n3A_27 : vector<16xi1>, vector<16xi32>
      %broadcast_in_dim3A_611 = vector.shape_cast %select_n3A_610 : vector<16xi32> to vector<16x1xi32>
      %gather3A_612 = vector.shape_cast %broadcast_in_dim3A_611 : vector<16x1xi32> to vector<16xi32>
      %gather3A_613 = tpu.dynamic_gather %select_n3A_593[%gather3A_612] in [0] : vector<16xi32>, vector<16xi32> -> vector<16xi32>
      %lt3A_614 = arith.cmpf olt, %gather3A_603, %select_n3A_589 : vector<16xf32>
      %eq3A_615 = arith.cmpf oeq, %gather3A_603, %select_n3A_589 : vector<16xf32>
      %lt3A_616 = arith.cmpi slt, %gather3A_613, %select_n3A_593 : vector<16xi32>
      %and3A_617 = arith.andi %eq3A_615, %lt3A_616 : vector<16xi1>
      %select_n3A_618 = arith.select %lt3A_614, %gather3A_603, %select_n3A_589 : vector<16xi1>, vector<16xf32>
      %or3A_619 = arith.ori %lt3A_614, %and3A_617 : vector<16xi1>
      %select_n3A_620 = arith.select %or3A_619, %gather3A_613, %select_n3A_593 : vector<16xi1>, vector<16xi32>
      %lt3A_621 = arith.constant 0 : i32
      %lt3A_622 = vector.broadcast %lt3A_621 : i32 to vector<16xi32>
      %lt3A_623 = arith.cmpi slt, %select_n3A_52, %lt3A_622 : vector<16xi32>
      %add3A_624 = arith.constant 16 : i32
      %add3A_625 = vector.broadcast %add3A_624 : i32 to vector<16xi32>
      %add3A_626 = arith.addi %select_n3A_52, %add3A_625 : vector<16xi32>
      %select_n3A_627 = arith.select %lt3A_623, %add3A_626, %select_n3A_52 : vector<16xi1>, vector<16xi32>
      %broadcast_in_dim3A_628 = vector.shape_cast %select_n3A_627 : vector<16xi32> to vector<16x1xi32>
      %gather3A_629 = vector.shape_cast %broadcast_in_dim3A_628 : vector<16x1xi32> to vector<16xi32>
      %gather3A_630 = tpu.dynamic_gather %select_n3A_618[%gather3A_629] in [0] : vector<16xf32>, vector<16xi32> -> vector<16xf32>
      %lt3A_631 = arith.constant 0 : i32
      %lt3A_632 = vector.broadcast %lt3A_631 : i32 to vector<16xi32>
      %lt3A_633 = arith.cmpi slt, %select_n3A_52, %lt3A_632 : vector<16xi32>
      %add3A_634 = arith.constant 16 : i32
      %add3A_635 = vector.broadcast %add3A_634 : i32 to vector<16xi32>
      %add3A_636 = arith.addi %select_n3A_52, %add3A_635 : vector<16xi32>
      %select_n3A_637 = arith.select %lt3A_633, %add3A_636, %select_n3A_52 : vector<16xi1>, vector<16xi32>
      %broadcast_in_dim3A_638 = vector.shape_cast %select_n3A_637 : vector<16xi32> to vector<16x1xi32>
      %gather3A_639 = vector.shape_cast %broadcast_in_dim3A_638 : vector<16x1xi32> to vector<16xi32>
      %gather3A_640 = tpu.dynamic_gather %select_n3A_620[%gather3A_639] in [0] : vector<16xi32>, vector<16xi32> -> vector<16xi32>
      %lt3A_641 = arith.cmpf olt, %gather3A_630, %select_n3A_618 : vector<16xf32>
      %eq3A_642 = arith.cmpf oeq, %gather3A_630, %select_n3A_618 : vector<16xf32>
      %lt3A_643 = arith.cmpi slt, %gather3A_640, %select_n3A_620 : vector<16xi32>
      %and3A_644 = arith.andi %eq3A_642, %lt3A_643 : vector<16xi1>
      %select_n3A_645 = arith.select %lt3A_641, %gather3A_630, %select_n3A_618 : vector<16xi1>, vector<16xf32>
      %or3A_646 = arith.ori %lt3A_641, %and3A_644 : vector<16xi1>
      %select_n3A_647 = arith.select %or3A_646, %gather3A_640, %select_n3A_620 : vector<16xi1>, vector<16xi32>
      %lt3A_648 = arith.constant 0 : i32
      %lt3A_649 = vector.broadcast %lt3A_648 : i32 to vector<16xi32>
      %lt3A_650 = arith.cmpi slt, %select_n3A_77, %lt3A_649 : vector<16xi32>
      %add3A_651 = arith.constant 16 : i32
      %add3A_652 = vector.broadcast %add3A_651 : i32 to vector<16xi32>
      %add3A_653 = arith.addi %select_n3A_77, %add3A_652 : vector<16xi32>
      %select_n3A_654 = arith.select %lt3A_650, %add3A_653, %select_n3A_77 : vector<16xi1>, vector<16xi32>
      %broadcast_in_dim3A_655 = vector.shape_cast %select_n3A_654 : vector<16xi32> to vector<16x1xi32>
      %gather3A_656 = vector.shape_cast %broadcast_in_dim3A_655 : vector<16x1xi32> to vector<16xi32>
      %gather3A_657 = tpu.dynamic_gather %select_n3A_645[%gather3A_656] in [0] : vector<16xf32>, vector<16xi32> -> vector<16xf32>
      %lt3A_658 = arith.constant 0 : i32
      %lt3A_659 = vector.broadcast %lt3A_658 : i32 to vector<16xi32>
      %lt3A_660 = arith.cmpi slt, %select_n3A_77, %lt3A_659 : vector<16xi32>
      %add3A_661 = arith.constant 16 : i32
      %add3A_662 = vector.broadcast %add3A_661 : i32 to vector<16xi32>
      %add3A_663 = arith.addi %select_n3A_77, %add3A_662 : vector<16xi32>
      %select_n3A_664 = arith.select %lt3A_660, %add3A_663, %select_n3A_77 : vector<16xi1>, vector<16xi32>
      %broadcast_in_dim3A_665 = vector.shape_cast %select_n3A_664 : vector<16xi32> to vector<16x1xi32>
      %gather3A_666 = vector.shape_cast %broadcast_in_dim3A_665 : vector<16x1xi32> to vector<16xi32>
      %gather3A_667 = tpu.dynamic_gather %select_n3A_647[%gather3A_666] in [0] : vector<16xi32>, vector<16xi32> -> vector<16xi32>
      %lt3A_668 = arith.cmpf olt, %gather3A_657, %select_n3A_645 : vector<16xf32>
      %eq3A_669 = arith.cmpf oeq, %gather3A_657, %select_n3A_645 : vector<16xf32>
      %lt3A_670 = arith.cmpi slt, %gather3A_667, %select_n3A_647 : vector<16xi32>
      %and3A_671 = arith.andi %eq3A_669, %lt3A_670 : vector<16xi1>
      %select_n3A_672 = arith.select %lt3A_668, %gather3A_657, %select_n3A_645 : vector<16xi1>, vector<16xf32>
      %or3A_673 = arith.ori %lt3A_668, %and3A_671 : vector<16xi1>
      %select_n3A_674 = arith.select %or3A_673, %gather3A_667, %select_n3A_647 : vector<16xi1>, vector<16xi32>
      %lt3A_675 = arith.constant 0 : i32
      %lt3A_676 = vector.broadcast %lt3A_675 : i32 to vector<16xi32>
      %lt3A_677 = arith.cmpi slt, %select_n3A_102, %lt3A_676 : vector<16xi32>
      %add3A_678 = arith.constant 16 : i32
      %add3A_679 = vector.broadcast %add3A_678 : i32 to vector<16xi32>
      %add3A_680 = arith.addi %select_n3A_102, %add3A_679 : vector<16xi32>
      %select_n3A_681 = arith.select %lt3A_677, %add3A_680, %select_n3A_102 : vector<16xi1>, vector<16xi32>
      %broadcast_in_dim3A_682 = vector.shape_cast %select_n3A_681 : vector<16xi32> to vector<16x1xi32>
      %gather3A_683 = vector.shape_cast %broadcast_in_dim3A_682 : vector<16x1xi32> to vector<16xi32>
      %gather3A_684 = tpu.dynamic_gather %select_n3A_672[%gather3A_683] in [0] : vector<16xf32>, vector<16xi32> -> vector<16xf32>
      %lt3A_685 = arith.constant 0 : i32
      %lt3A_686 = vector.broadcast %lt3A_685 : i32 to vector<16xi32>
      %lt3A_687 = arith.cmpi slt, %select_n3A_102, %lt3A_686 : vector<16xi32>
      %add3A_688 = arith.constant 16 : i32
      %add3A_689 = vector.broadcast %add3A_688 : i32 to vector<16xi32>
      %add3A_690 = arith.addi %select_n3A_102, %add3A_689 : vector<16xi32>
      %select_n3A_691 = arith.select %lt3A_687, %add3A_690, %select_n3A_102 : vector<16xi1>, vector<16xi32>
      %broadcast_in_dim3A_692 = vector.shape_cast %select_n3A_691 : vector<16xi32> to vector<16x1xi32>
      %gather3A_693 = vector.shape_cast %broadcast_in_dim3A_692 : vector<16x1xi32> to vector<16xi32>
      %gather3A_694 = tpu.dynamic_gather %select_n3A_674[%gather3A_693] in [0] : vector<16xi32>, vector<16xi32> -> vector<16xi32>
      %lt3A_695 = arith.cmpf olt, %gather3A_684, %select_n3A_672 : vector<16xf32>
      %eq3A_696 = arith.cmpf oeq, %gather3A_684, %select_n3A_672 : vector<16xf32>
      %lt3A_697 = arith.cmpi slt, %gather3A_694, %select_n3A_674 : vector<16xi32>
      %and3A_698 = arith.andi %eq3A_696, %lt3A_697 : vector<16xi1>
      %select_n3A_699 = arith.select %lt3A_695, %gather3A_684, %select_n3A_672 : vector<16xi1>, vector<16xf32>
      %or3A_700 = arith.ori %lt3A_695, %and3A_698 : vector<16xi1>
      %select_n3A_701 = arith.select %or3A_700, %gather3A_694, %select_n3A_674 : vector<16xi1>, vector<16xi32>
      %slice3A_702 = vector.extract_strided_slice %select_n3A_701 {offsets = [0], sizes = [1], strides = [1]} : vector<16xi32> to vector<1xi32>
      %squeeze3A_703 = vector.extract %slice3A_702[0] : i32 from vector<1xi32>
      %add3A_704 = arith.constant 3 : i32
      %add3A_705 = arith.addi %mul3A_103, %add3A_704 : i32
      %get3A_706 = arith.index_cast %add3A_705 : i32 to index
      %get3A_707 = tpu.vector_load %arg6[%get3A_706] {strides = array<i32>} : memref<80xf32, #tpu.memory_space<vmem>>, vector<16xf32>,
      %get3A_708 = vector.shape_cast %get3A_707 : vector<16xf32> to vector<16xf32>
      %slice3A_709 = vector.extract_strided_slice %get3A_708 {offsets = [0], sizes = [1], strides = [1]} : vector<16xf32> to vector<1xf32>
      %squeeze3A_710 = vector.extract %slice3A_709[0] : f32 from vector<1xf32>
      %broadcast_in_dim3A_711 = arith.constant 0 : i32
      %broadcast_in_dim3A_712 = vector.broadcast %broadcast_in_dim3A_711 : i32 to vector<16xi32>
      %sub3A_713 = vector.broadcast %squeeze3A_710 : f32 to vector<16xf32>
      %sub3A_714 = arith.subf %sub3A, %sub3A_713 : vector<16xf32>
      %abs3A_715 = math.absf %sub3A_714 : vector<16xf32>
      %sub3A_716 = arith.constant 0 : i32
      %sub3A_717 = arith.subi %add3A_705, %sub3A_716 : i32
      %eq3A_718 = vector.broadcast %sub3A_717 : i32 to vector<16xi32>
      %eq3A_719 = arith.cmpi eq, %iota3A, %eq3A_718 : vector<16xi32>
      %select_n3A_720 = arith.select %eq3A_719, %broadcast_in_dim3A_9, %abs3A_715 : vector<16xi1>, vector<16xf32>
      %lt3A_721 = arith.cmpf olt, %select_n3A_720, %broadcast_in_dim3A_9 : vector<16xf32>
      %select_n3A_722 = arith.select %lt3A_721, %select_n3A_720, %broadcast_in_dim3A_9 : vector<16xi1>, vector<16xf32>
      %add3A_723 = arith.constant 0 : i32
      %add3A_724 = vector.broadcast %add3A_723 : i32 to vector<16xi32>
      %add3A_725 = arith.addi %iota3A, %add3A_724 : vector<16xi32>
      %select_n3A_726 = arith.select %lt3A_721, %add3A_725, %broadcast_in_dim3A_712 : vector<16xi1>, vector<16xi32>
      %sub3A_727 = vector.broadcast %squeeze3A_710 : f32 to vector<16xf32>
      %sub3A_728 = arith.subf %sub3A_115, %sub3A_727 : vector<16xf32>
      %abs3A_729 = math.absf %sub3A_728 : vector<16xf32>
      %sub3A_730 = arith.constant 16 : i32
      %sub3A_731 = arith.subi %add3A_705, %sub3A_730 : i32
      %eq3A_732 = vector.broadcast %sub3A_731 : i32 to vector<16xi32>
      %eq3A_733 = arith.cmpi eq, %iota3A, %eq3A_732 : vector<16xi32>
      %select_n3A_734 = arith.select %eq3A_733, %broadcast_in_dim3A_9, %abs3A_729 : vector<16xi1>, vector<16xf32>
      %lt3A_735 = arith.cmpf olt, %select_n3A_734, %select_n3A_722 : vector<16xf32>
      %select_n3A_736 = arith.select %lt3A_735, %select_n3A_734, %select_n3A_722 : vector<16xi1>, vector<16xf32>
      %add3A_737 = arith.constant 16 : i32
      %add3A_738 = vector.broadcast %add3A_737 : i32 to vector<16xi32>
      %add3A_739 = arith.addi %iota3A, %add3A_738 : vector<16xi32>
      %select_n3A_740 = arith.select %lt3A_735, %add3A_739, %select_n3A_726 : vector<16xi1>, vector<16xi32>
      %sub3A_741 = vector.broadcast %squeeze3A_710 : f32 to vector<16xf32>
      %sub3A_742 = arith.subf %sub3A_122, %sub3A_741 : vector<16xf32>
      %abs3A_743 = math.absf %sub3A_742 : vector<16xf32>
      %sub3A_744 = arith.constant 32 : i32
      %sub3A_745 = arith.subi %add3A_705, %sub3A_744 : i32
      %eq3A_746 = vector.broadcast %sub3A_745 : i32 to vector<16xi32>
      %eq3A_747 = arith.cmpi eq, %iota3A, %eq3A_746 : vector<16xi32>
      %select_n3A_748 = arith.select %eq3A_747, %broadcast_in_dim3A_9, %abs3A_743 : vector<16xi1>, vector<16xf32>
      %lt3A_749 = arith.cmpf olt, %select_n3A_748, %select_n3A_736 : vector<16xf32>
      %select_n3A_750 = arith.select %lt3A_749, %select_n3A_748, %select_n3A_736 : vector<16xi1>, vector<16xf32>
      %add3A_751 = arith.constant 32 : i32
      %add3A_752 = vector.broadcast %add3A_751 : i32 to vector<16xi32>
      %add3A_753 = arith.addi %iota3A, %add3A_752 : vector<16xi32>
      %select_n3A_754 = arith.select %lt3A_749, %add3A_753, %select_n3A_740 : vector<16xi1>, vector<16xi32>
      %sub3A_755 = vector.broadcast %squeeze3A_710 : f32 to vector<16xf32>
      %sub3A_756 = arith.subf %sub3A_129, %sub3A_755 : vector<16xf32>
      %abs3A_757 = math.absf %sub3A_756 : vector<16xf32>
      %sub3A_758 = arith.constant 48 : i32
      %sub3A_759 = arith.subi %add3A_705, %sub3A_758 : i32
      %eq3A_760 = vector.broadcast %sub3A_759 : i32 to vector<16xi32>
      %eq3A_761 = arith.cmpi eq, %iota3A, %eq3A_760 : vector<16xi32>
      %select_n3A_762 = arith.select %eq3A_761, %broadcast_in_dim3A_9, %abs3A_757 : vector<16xi1>, vector<16xf32>
      %lt3A_763 = arith.cmpf olt, %select_n3A_762, %select_n3A_750 : vector<16xf32>
      %select_n3A_764 = arith.select %lt3A_763, %select_n3A_762, %select_n3A_750 : vector<16xi1>, vector<16xf32>
      %add3A_765 = arith.constant 48 : i32
      %add3A_766 = vector.broadcast %add3A_765 : i32 to vector<16xi32>
      %add3A_767 = arith.addi %iota3A, %add3A_766 : vector<16xi32>
      %select_n3A_768 = arith.select %lt3A_763, %add3A_767, %select_n3A_754 : vector<16xi1>, vector<16xi32>
      %sub3A_769 = vector.broadcast %squeeze3A_710 : f32 to vector<16xf32>
      %sub3A_770 = arith.subf %sub3A_136, %sub3A_769 : vector<16xf32>
      %abs3A_771 = math.absf %sub3A_770 : vector<16xf32>
      %sub3A_772 = arith.constant 64 : i32
      %sub3A_773 = arith.subi %add3A_705, %sub3A_772 : i32
      %eq3A_774 = vector.broadcast %sub3A_773 : i32 to vector<16xi32>
      %eq3A_775 = arith.cmpi eq, %iota3A, %eq3A_774 : vector<16xi32>
      %or3A_776 = arith.ori %eq3A_775, %ge3A_138 : vector<16xi1>
      %select_n3A_777 = arith.select %or3A_776, %broadcast_in_dim3A_9, %abs3A_771 : vector<16xi1>, vector<16xf32>
      %lt3A_778 = arith.cmpf olt, %select_n3A_777, %select_n3A_764 : vector<16xf32>
      %select_n3A_779 = arith.select %lt3A_778, %select_n3A_777, %select_n3A_764 : vector<16xi1>, vector<16xf32>
      %add3A_780 = arith.constant 64 : i32
      %add3A_781 = vector.broadcast %add3A_780 : i32 to vector<16xi32>
      %add3A_782 = arith.addi %iota3A, %add3A_781 : vector<16xi32>
      %select_n3A_783 = arith.select %lt3A_778, %add3A_782, %select_n3A_768 : vector<16xi1>, vector<16xi32>
      %lt3A_784 = arith.constant 0 : i32
      %lt3A_785 = vector.broadcast %lt3A_784 : i32 to vector<16xi32>
      %lt3A_786 = arith.cmpi slt, %select_n3A_27, %lt3A_785 : vector<16xi32>
      %add3A_787 = arith.constant 16 : i32
      %add3A_788 = vector.broadcast %add3A_787 : i32 to vector<16xi32>
      %add3A_789 = arith.addi %select_n3A_27, %add3A_788 : vector<16xi32>
      %select_n3A_790 = arith.select %lt3A_786, %add3A_789, %select_n3A_27 : vector<16xi1>, vector<16xi32>
      %broadcast_in_dim3A_791 = vector.shape_cast %select_n3A_790 : vector<16xi32> to vector<16x1xi32>
      %gather3A_792 = vector.shape_cast %broadcast_in_dim3A_791 : vector<16x1xi32> to vector<16xi32>
      %gather3A_793 = tpu.dynamic_gather %select_n3A_779[%gather3A_792] in [0] : vector<16xf32>, vector<16xi32> -> vector<16xf32>
      %lt3A_794 = arith.constant 0 : i32
      %lt3A_795 = vector.broadcast %lt3A_794 : i32 to vector<16xi32>
      %lt3A_796 = arith.cmpi slt, %select_n3A_27, %lt3A_795 : vector<16xi32>
      %add3A_797 = arith.constant 16 : i32
      %add3A_798 = vector.broadcast %add3A_797 : i32 to vector<16xi32>
      %add3A_799 = arith.addi %select_n3A_27, %add3A_798 : vector<16xi32>
      %select_n3A_800 = arith.select %lt3A_796, %add3A_799, %select_n3A_27 : vector<16xi1>, vector<16xi32>
      %broadcast_in_dim3A_801 = vector.shape_cast %select_n3A_800 : vector<16xi32> to vector<16x1xi32>
      %gather3A_802 = vector.shape_cast %broadcast_in_dim3A_801 : vector<16x1xi32> to vector<16xi32>
      %gather3A_803 = tpu.dynamic_gather %select_n3A_783[%gather3A_802] in [0] : vector<16xi32>, vector<16xi32> -> vector<16xi32>
      %lt3A_804 = arith.cmpf olt, %gather3A_793, %select_n3A_779 : vector<16xf32>
      %eq3A_805 = arith.cmpf oeq, %gather3A_793, %select_n3A_779 : vector<16xf32>
      %lt3A_806 = arith.cmpi slt, %gather3A_803, %select_n3A_783 : vector<16xi32>
      %and3A_807 = arith.andi %eq3A_805, %lt3A_806 : vector<16xi1>
      %select_n3A_808 = arith.select %lt3A_804, %gather3A_793, %select_n3A_779 : vector<16xi1>, vector<16xf32>
      %or3A_809 = arith.ori %lt3A_804, %and3A_807 : vector<16xi1>
      %select_n3A_810 = arith.select %or3A_809, %gather3A_803, %select_n3A_783 : vector<16xi1>, vector<16xi32>
      %lt3A_811 = arith.constant 0 : i32
      %lt3A_812 = vector.broadcast %lt3A_811 : i32 to vector<16xi32>
      %lt3A_813 = arith.cmpi slt, %select_n3A_52, %lt3A_812 : vector<16xi32>
      %add3A_814 = arith.constant 16 : i32
      %add3A_815 = vector.broadcast %add3A_814 : i32 to vector<16xi32>
      %add3A_816 = arith.addi %select_n3A_52, %add3A_815 : vector<16xi32>
      %select_n3A_817 = arith.select %lt3A_813, %add3A_816, %select_n3A_52 : vector<16xi1>, vector<16xi32>
      %broadcast_in_dim3A_818 = vector.shape_cast %select_n3A_817 : vector<16xi32> to vector<16x1xi32>
      %gather3A_819 = vector.shape_cast %broadcast_in_dim3A_818 : vector<16x1xi32> to vector<16xi32>
      %gather3A_820 = tpu.dynamic_gather %select_n3A_808[%gather3A_819] in [0] : vector<16xf32>, vector<16xi32> -> vector<16xf32>
      %lt3A_821 = arith.constant 0 : i32
      %lt3A_822 = vector.broadcast %lt3A_821 : i32 to vector<16xi32>
      %lt3A_823 = arith.cmpi slt, %select_n3A_52, %lt3A_822 : vector<16xi32>
      %add3A_824 = arith.constant 16 : i32
      %add3A_825 = vector.broadcast %add3A_824 : i32 to vector<16xi32>
      %add3A_826 = arith.addi %select_n3A_52, %add3A_825 : vector<16xi32>
      %select_n3A_827 = arith.select %lt3A_823, %add3A_826, %select_n3A_52 : vector<16xi1>, vector<16xi32>
      %broadcast_in_dim3A_828 = vector.shape_cast %select_n3A_827 : vector<16xi32> to vector<16x1xi32>
      %gather3A_829 = vector.shape_cast %broadcast_in_dim3A_828 : vector<16x1xi32> to vector<16xi32>
      %gather3A_830 = tpu.dynamic_gather %select_n3A_810[%gather3A_829] in [0] : vector<16xi32>, vector<16xi32> -> vector<16xi32>
      %lt3A_831 = arith.cmpf olt, %gather3A_820, %select_n3A_808 : vector<16xf32>
      %eq3A_832 = arith.cmpf oeq, %gather3A_820, %select_n3A_808 : vector<16xf32>
      %lt3A_833 = arith.cmpi slt, %gather3A_830, %select_n3A_810 : vector<16xi32>
      %and3A_834 = arith.andi %eq3A_832, %lt3A_833 : vector<16xi1>
      %select_n3A_835 = arith.select %lt3A_831, %gather3A_820, %select_n3A_808 : vector<16xi1>, vector<16xf32>
      %or3A_836 = arith.ori %lt3A_831, %and3A_834 : vector<16xi1>
      %select_n3A_837 = arith.select %or3A_836, %gather3A_830, %select_n3A_810 : vector<16xi1>, vector<16xi32>
      %lt3A_838 = arith.constant 0 : i32
      %lt3A_839 = vector.broadcast %lt3A_838 : i32 to vector<16xi32>
      %lt3A_840 = arith.cmpi slt, %select_n3A_77, %lt3A_839 : vector<16xi32>
      %add3A_841 = arith.constant 16 : i32
      %add3A_842 = vector.broadcast %add3A_841 : i32 to vector<16xi32>
      %add3A_843 = arith.addi %select_n3A_77, %add3A_842 : vector<16xi32>
      %select_n3A_844 = arith.select %lt3A_840, %add3A_843, %select_n3A_77 : vector<16xi1>, vector<16xi32>
      %broadcast_in_dim3A_845 = vector.shape_cast %select_n3A_844 : vector<16xi32> to vector<16x1xi32>
      %gather3A_846 = vector.shape_cast %broadcast_in_dim3A_845 : vector<16x1xi32> to vector<16xi32>
      %gather3A_847 = tpu.dynamic_gather %select_n3A_835[%gather3A_846] in [0] : vector<16xf32>, vector<16xi32> -> vector<16xf32>
      %lt3A_848 = arith.constant 0 : i32
      %lt3A_849 = vector.broadcast %lt3A_848 : i32 to vector<16xi32>
      %lt3A_850 = arith.cmpi slt, %select_n3A_77, %lt3A_849 : vector<16xi32>
      %add3A_851 = arith.constant 16 : i32
      %add3A_852 = vector.broadcast %add3A_851 : i32 to vector<16xi32>
      %add3A_853 = arith.addi %select_n3A_77, %add3A_852 : vector<16xi32>
      %select_n3A_854 = arith.select %lt3A_850, %add3A_853, %select_n3A_77 : vector<16xi1>, vector<16xi32>
      %broadcast_in_dim3A_855 = vector.shape_cast %select_n3A_854 : vector<16xi32> to vector<16x1xi32>
      %gather3A_856 = vector.shape_cast %broadcast_in_dim3A_855 : vector<16x1xi32> to vector<16xi32>
      %gather3A_857 = tpu.dynamic_gather %select_n3A_837[%gather3A_856] in [0] : vector<16xi32>, vector<16xi32> -> vector<16xi32>
      %lt3A_858 = arith.cmpf olt, %gather3A_847, %select_n3A_835 : vector<16xf32>
      %eq3A_859 = arith.cmpf oeq, %gather3A_847, %select_n3A_835 : vector<16xf32>
      %lt3A_860 = arith.cmpi slt, %gather3A_857, %select_n3A_837 : vector<16xi32>
      %and3A_861 = arith.andi %eq3A_859, %lt3A_860 : vector<16xi1>
      %select_n3A_862 = arith.select %lt3A_858, %gather3A_847, %select_n3A_835 : vector<16xi1>, vector<16xf32>
      %or3A_863 = arith.ori %lt3A_858, %and3A_861 : vector<16xi1>
      %select_n3A_864 = arith.select %or3A_863, %gather3A_857, %select_n3A_837 : vector<16xi1>, vector<16xi32>
      %lt3A_865 = arith.constant 0 : i32
      %lt3A_866 = vector.broadcast %lt3A_865 : i32 to vector<16xi32>
      %lt3A_867 = arith.cmpi slt, %select_n3A_102, %lt3A_866 : vector<16xi32>
      %add3A_868 = arith.constant 16 : i32
      %add3A_869 = vector.broadcast %add3A_868 : i32 to vector<16xi32>
      %add3A_870 = arith.addi %select_n3A_102, %add3A_869 : vector<16xi32>
      %select_n3A_871 = arith.select %lt3A_867, %add3A_870, %select_n3A_102 : vector<16xi1>, vector<16xi32>
      %broadcast_in_dim3A_872 = vector.shape_cast %select_n3A_871 : vector<16xi32> to vector<16x1xi32>
      %gather3A_873 = vector.shape_cast %broadcast_in_dim3A_872 : vector<16x1xi32> to vector<16xi32>
      %gather3A_874 = tpu.dynamic_gather %select_n3A_862[%gather3A_873] in [0] : vector<16xf32>, vector<16xi32> -> vector<16xf32>
      %lt3A_875 = arith.constant 0 : i32
      %lt3A_876 = vector.broadcast %lt3A_875 : i32 to vector<16xi32>
      %lt3A_877 = arith.cmpi slt, %select_n3A_102, %lt3A_876 : vector<16xi32>
      %add3A_878 = arith.constant 16 : i32
      %add3A_879 = vector.broadcast %add3A_878 : i32 to vector<16xi32>
      %add3A_880 = arith.addi %select_n3A_102, %add3A_879 : vector<16xi32>
      %select_n3A_881 = arith.select %lt3A_877, %add3A_880, %select_n3A_102 : vector<16xi1>, vector<16xi32>
      %broadcast_in_dim3A_882 = vector.shape_cast %select_n3A_881 : vector<16xi32> to vector<16x1xi32>
      %gather3A_883 = vector.shape_cast %broadcast_in_dim3A_882 : vector<16x1xi32> to vector<16xi32>
      %gather3A_884 = tpu.dynamic_gather %select_n3A_864[%gather3A_883] in [0] : vector<16xi32>, vector<16xi32> -> vector<16xi32>
      %lt3A_885 = arith.cmpf olt, %gather3A_874, %select_n3A_862 : vector<16xf32>
      %eq3A_886 = arith.cmpf oeq, %gather3A_874, %select_n3A_862 : vector<16xf32>
      %lt3A_887 = arith.cmpi slt, %gather3A_884, %select_n3A_864 : vector<16xi32>
      %and3A_888 = arith.andi %eq3A_886, %lt3A_887 : vector<16xi1>
      %select_n3A_889 = arith.select %lt3A_885, %gather3A_874, %select_n3A_862 : vector<16xi1>, vector<16xf32>
      %or3A_890 = arith.ori %lt3A_885, %and3A_888 : vector<16xi1>
      %select_n3A_891 = arith.select %or3A_890, %gather3A_884, %select_n3A_864 : vector<16xi1>, vector<16xi32>
      %slice3A_892 = vector.extract_strided_slice %select_n3A_891 {offsets = [0], sizes = [1], strides = [1]} : vector<16xi32> to vector<1xi32>
      %squeeze3A_893 = vector.extract %slice3A_892[0] : i32 from vector<1xi32>
      %add3A_894 = arith.constant 4 : i32
      %add3A_895 = arith.addi %mul3A_103, %add3A_894 : i32
      %get3A_896 = arith.index_cast %add3A_895 : i32 to index
      %get3A_897 = tpu.vector_load %arg6[%get3A_896] {strides = array<i32>} : memref<80xf32, #tpu.memory_space<vmem>>, vector<16xf32>,
      %get3A_898 = vector.shape_cast %get3A_897 : vector<16xf32> to vector<16xf32>
      %slice3A_899 = vector.extract_strided_slice %get3A_898 {offsets = [0], sizes = [1], strides = [1]} : vector<16xf32> to vector<1xf32>
      %squeeze3A_900 = vector.extract %slice3A_899[0] : f32 from vector<1xf32>
      %broadcast_in_dim3A_901 = arith.constant 0 : i32
      %broadcast_in_dim3A_902 = vector.broadcast %broadcast_in_dim3A_901 : i32 to vector<16xi32>
      %sub3A_903 = vector.broadcast %squeeze3A_900 : f32 to vector<16xf32>
      %sub3A_904 = arith.subf %sub3A, %sub3A_903 : vector<16xf32>
      %abs3A_905 = math.absf %sub3A_904 : vector<16xf32>
      %sub3A_906 = arith.constant 0 : i32
      %sub3A_907 = arith.subi %add3A_895, %sub3A_906 : i32
      %eq3A_908 = vector.broadcast %sub3A_907 : i32 to vector<16xi32>
      %eq3A_909 = arith.cmpi eq, %iota3A, %eq3A_908 : vector<16xi32>
      %select_n3A_910 = arith.select %eq3A_909, %broadcast_in_dim3A_9, %abs3A_905 : vector<16xi1>, vector<16xf32>
      %lt3A_911 = arith.cmpf olt, %select_n3A_910, %broadcast_in_dim3A_9 : vector<16xf32>
      %select_n3A_912 = arith.select %lt3A_911, %select_n3A_910, %broadcast_in_dim3A_9 : vector<16xi1>, vector<16xf32>
      %add3A_913 = arith.constant 0 : i32
      %add3A_914 = vector.broadcast %add3A_913 : i32 to vector<16xi32>
      %add3A_915 = arith.addi %iota3A, %add3A_914 : vector<16xi32>
      %select_n3A_916 = arith.select %lt3A_911, %add3A_915, %broadcast_in_dim3A_902 : vector<16xi1>, vector<16xi32>
      %sub3A_917 = vector.broadcast %squeeze3A_900 : f32 to vector<16xf32>
      %sub3A_918 = arith.subf %sub3A_115, %sub3A_917 : vector<16xf32>
      %abs3A_919 = math.absf %sub3A_918 : vector<16xf32>
      %sub3A_920 = arith.constant 16 : i32
      %sub3A_921 = arith.subi %add3A_895, %sub3A_920 : i32
      %eq3A_922 = vector.broadcast %sub3A_921 : i32 to vector<16xi32>
      %eq3A_923 = arith.cmpi eq, %iota3A, %eq3A_922 : vector<16xi32>
      %select_n3A_924 = arith.select %eq3A_923, %broadcast_in_dim3A_9, %abs3A_919 : vector<16xi1>, vector<16xf32>
      %lt3A_925 = arith.cmpf olt, %select_n3A_924, %select_n3A_912 : vector<16xf32>
      %select_n3A_926 = arith.select %lt3A_925, %select_n3A_924, %select_n3A_912 : vector<16xi1>, vector<16xf32>
      %add3A_927 = arith.constant 16 : i32
      %add3A_928 = vector.broadcast %add3A_927 : i32 to vector<16xi32>
      %add3A_929 = arith.addi %iota3A, %add3A_928 : vector<16xi32>
      %select_n3A_930 = arith.select %lt3A_925, %add3A_929, %select_n3A_916 : vector<16xi1>, vector<16xi32>
      %sub3A_931 = vector.broadcast %squeeze3A_900 : f32 to vector<16xf32>
      %sub3A_932 = arith.subf %sub3A_122, %sub3A_931 : vector<16xf32>
      %abs3A_933 = math.absf %sub3A_932 : vector<16xf32>
      %sub3A_934 = arith.constant 32 : i32
      %sub3A_935 = arith.subi %add3A_895, %sub3A_934 : i32
      %eq3A_936 = vector.broadcast %sub3A_935 : i32 to vector<16xi32>
      %eq3A_937 = arith.cmpi eq, %iota3A, %eq3A_936 : vector<16xi32>
      %select_n3A_938 = arith.select %eq3A_937, %broadcast_in_dim3A_9, %abs3A_933 : vector<16xi1>, vector<16xf32>
      %lt3A_939 = arith.cmpf olt, %select_n3A_938, %select_n3A_926 : vector<16xf32>
      %select_n3A_940 = arith.select %lt3A_939, %select_n3A_938, %select_n3A_926 : vector<16xi1>, vector<16xf32>
      %add3A_941 = arith.constant 32 : i32
      %add3A_942 = vector.broadcast %add3A_941 : i32 to vector<16xi32>
      %add3A_943 = arith.addi %iota3A, %add3A_942 : vector<16xi32>
      %select_n3A_944 = arith.select %lt3A_939, %add3A_943, %select_n3A_930 : vector<16xi1>, vector<16xi32>
      %sub3A_945 = vector.broadcast %squeeze3A_900 : f32 to vector<16xf32>
      %sub3A_946 = arith.subf %sub3A_129, %sub3A_945 : vector<16xf32>
      %abs3A_947 = math.absf %sub3A_946 : vector<16xf32>
      %sub3A_948 = arith.constant 48 : i32
      %sub3A_949 = arith.subi %add3A_895, %sub3A_948 : i32
      %eq3A_950 = vector.broadcast %sub3A_949 : i32 to vector<16xi32>
      %eq3A_951 = arith.cmpi eq, %iota3A, %eq3A_950 : vector<16xi32>
      %select_n3A_952 = arith.select %eq3A_951, %broadcast_in_dim3A_9, %abs3A_947 : vector<16xi1>, vector<16xf32>
      %lt3A_953 = arith.cmpf olt, %select_n3A_952, %select_n3A_940 : vector<16xf32>
      %select_n3A_954 = arith.select %lt3A_953, %select_n3A_952, %select_n3A_940 : vector<16xi1>, vector<16xf32>
      %add3A_955 = arith.constant 48 : i32
      %add3A_956 = vector.broadcast %add3A_955 : i32 to vector<16xi32>
      %add3A_957 = arith.addi %iota3A, %add3A_956 : vector<16xi32>
      %select_n3A_958 = arith.select %lt3A_953, %add3A_957, %select_n3A_944 : vector<16xi1>, vector<16xi32>
      %sub3A_959 = vector.broadcast %squeeze3A_900 : f32 to vector<16xf32>
      %sub3A_960 = arith.subf %sub3A_136, %sub3A_959 : vector<16xf32>
      %abs3A_961 = math.absf %sub3A_960 : vector<16xf32>
      %sub3A_962 = arith.constant 64 : i32
      %sub3A_963 = arith.subi %add3A_895, %sub3A_962 : i32
      %eq3A_964 = vector.broadcast %sub3A_963 : i32 to vector<16xi32>
      %eq3A_965 = arith.cmpi eq, %iota3A, %eq3A_964 : vector<16xi32>
      %or3A_966 = arith.ori %eq3A_965, %ge3A_138 : vector<16xi1>
      %select_n3A_967 = arith.select %or3A_966, %broadcast_in_dim3A_9, %abs3A_961 : vector<16xi1>, vector<16xf32>
      %lt3A_968 = arith.cmpf olt, %select_n3A_967, %select_n3A_954 : vector<16xf32>
      %select_n3A_969 = arith.select %lt3A_968, %select_n3A_967, %select_n3A_954 : vector<16xi1>, vector<16xf32>
      %add3A_970 = arith.constant 64 : i32
      %add3A_971 = vector.broadcast %add3A_970 : i32 to vector<16xi32>
      %add3A_972 = arith.addi %iota3A, %add3A_971 : vector<16xi32>
      %select_n3A_973 = arith.select %lt3A_968, %add3A_972, %select_n3A_958 : vector<16xi1>, vector<16xi32>
      %lt3A_974 = arith.constant 0 : i32
      %lt3A_975 = vector.broadcast %lt3A_974 : i32 to vector<16xi32>
      %lt3A_976 = arith.cmpi slt, %select_n3A_27, %lt3A_975 : vector<16xi32>
      %add3A_977 = arith.constant 16 : i32
      %add3A_978 = vector.broadcast %add3A_977 : i32 to vector<16xi32>
      %add3A_979 = arith.addi %select_n3A_27, %add3A_978 : vector<16xi32>
      %select_n3A_980 = arith.select %lt3A_976, %add3A_979, %select_n3A_27 : vector<16xi1>, vector<16xi32>
      %broadcast_in_dim3A_981 = vector.shape_cast %select_n3A_980 : vector<16xi32> to vector<16x1xi32>
      %gather3A_982 = vector.shape_cast %broadcast_in_dim3A_981 : vector<16x1xi32> to vector<16xi32>
      %gather3A_983 = tpu.dynamic_gather %select_n3A_969[%gather3A_982] in [0] : vector<16xf32>, vector<16xi32> -> vector<16xf32>
      %lt3A_984 = arith.constant 0 : i32
      %lt3A_985 = vector.broadcast %lt3A_984 : i32 to vector<16xi32>
      %lt3A_986 = arith.cmpi slt, %select_n3A_27, %lt3A_985 : vector<16xi32>
      %add3A_987 = arith.constant 16 : i32
      %add3A_988 = vector.broadcast %add3A_987 : i32 to vector<16xi32>
      %add3A_989 = arith.addi %select_n3A_27, %add3A_988 : vector<16xi32>
      %select_n3A_990 = arith.select %lt3A_986, %add3A_989, %select_n3A_27 : vector<16xi1>, vector<16xi32>
      %broadcast_in_dim3A_991 = vector.shape_cast %select_n3A_990 : vector<16xi32> to vector<16x1xi32>
      %gather3A_992 = vector.shape_cast %broadcast_in_dim3A_991 : vector<16x1xi32> to vector<16xi32>
      %gather3A_993 = tpu.dynamic_gather %select_n3A_973[%gather3A_992] in [0] : vector<16xi32>, vector<16xi32> -> vector<16xi32>
      %lt3A_994 = arith.cmpf olt, %gather3A_983, %select_n3A_969 : vector<16xf32>
      %eq3A_995 = arith.cmpf oeq, %gather3A_983, %select_n3A_969 : vector<16xf32>
      %lt3A_996 = arith.cmpi slt, %gather3A_993, %select_n3A_973 : vector<16xi32>
      %and3A_997 = arith.andi %eq3A_995, %lt3A_996 : vector<16xi1>
      %select_n3A_998 = arith.select %lt3A_994, %gather3A_983, %select_n3A_969 : vector<16xi1>, vector<16xf32>
      %or3A_999 = arith.ori %lt3A_994, %and3A_997 : vector<16xi1>
      %select_n3A_1000 = arith.select %or3A_999, %gather3A_993, %select_n3A_973 : vector<16xi1>, vector<16xi32>
      %lt3A_1001 = arith.constant 0 : i32
      %lt3A_1002 = vector.broadcast %lt3A_1001 : i32 to vector<16xi32>
      %lt3A_1003 = arith.cmpi slt, %select_n3A_52, %lt3A_1002 : vector<16xi32>
      %add3A_1004 = arith.constant 16 : i32
      %add3A_1005 = vector.broadcast %add3A_1004 : i32 to vector<16xi32>
      %add3A_1006 = arith.addi %select_n3A_52, %add3A_1005 : vector<16xi32>
      %select_n3A_1007 = arith.select %lt3A_1003, %add3A_1006, %select_n3A_52 : vector<16xi1>, vector<16xi32>
      %broadcast_in_dim3A_1008 = vector.shape_cast %select_n3A_1007 : vector<16xi32> to vector<16x1xi32>
      %gather3A_1009 = vector.shape_cast %broadcast_in_dim3A_1008 : vector<16x1xi32> to vector<16xi32>
      %gather3A_1010 = tpu.dynamic_gather %select_n3A_998[%gather3A_1009] in [0] : vector<16xf32>, vector<16xi32> -> vector<16xf32>
      %lt3A_1011 = arith.constant 0 : i32
      %lt3A_1012 = vector.broadcast %lt3A_1011 : i32 to vector<16xi32>
      %lt3A_1013 = arith.cmpi slt, %select_n3A_52, %lt3A_1012 : vector<16xi32>
      %add3A_1014 = arith.constant 16 : i32
      %add3A_1015 = vector.broadcast %add3A_1014 : i32 to vector<16xi32>
      %add3A_1016 = arith.addi %select_n3A_52, %add3A_1015 : vector<16xi32>
      %select_n3A_1017 = arith.select %lt3A_1013, %add3A_1016, %select_n3A_52 : vector<16xi1>, vector<16xi32>
      %broadcast_in_dim3A_1018 = vector.shape_cast %select_n3A_1017 : vector<16xi32> to vector<16x1xi32>
      %gather3A_1019 = vector.shape_cast %broadcast_in_dim3A_1018 : vector<16x1xi32> to vector<16xi32>
      %gather3A_1020 = tpu.dynamic_gather %select_n3A_1000[%gather3A_1019] in [0] : vector<16xi32>, vector<16xi32> -> vector<16xi32>
      %lt3A_1021 = arith.cmpf olt, %gather3A_1010, %select_n3A_998 : vector<16xf32>
      %eq3A_1022 = arith.cmpf oeq, %gather3A_1010, %select_n3A_998 : vector<16xf32>
      %lt3A_1023 = arith.cmpi slt, %gather3A_1020, %select_n3A_1000 : vector<16xi32>
      %and3A_1024 = arith.andi %eq3A_1022, %lt3A_1023 : vector<16xi1>
      %select_n3A_1025 = arith.select %lt3A_1021, %gather3A_1010, %select_n3A_998 : vector<16xi1>, vector<16xf32>
      %or3A_1026 = arith.ori %lt3A_1021, %and3A_1024 : vector<16xi1>
      %select_n3A_1027 = arith.select %or3A_1026, %gather3A_1020, %select_n3A_1000 : vector<16xi1>, vector<16xi32>
      %lt3A_1028 = arith.constant 0 : i32
      %lt3A_1029 = vector.broadcast %lt3A_1028 : i32 to vector<16xi32>
      %lt3A_1030 = arith.cmpi slt, %select_n3A_77, %lt3A_1029 : vector<16xi32>
      %add3A_1031 = arith.constant 16 : i32
      %add3A_1032 = vector.broadcast %add3A_1031 : i32 to vector<16xi32>
      %add3A_1033 = arith.addi %select_n3A_77, %add3A_1032 : vector<16xi32>
      %select_n3A_1034 = arith.select %lt3A_1030, %add3A_1033, %select_n3A_77 : vector<16xi1>, vector<16xi32>
      %broadcast_in_dim3A_1035 = vector.shape_cast %select_n3A_1034 : vector<16xi32> to vector<16x1xi32>
      %gather3A_1036 = vector.shape_cast %broadcast_in_dim3A_1035 : vector<16x1xi32> to vector<16xi32>
      %gather3A_1037 = tpu.dynamic_gather %select_n3A_1025[%gather3A_1036] in [0] : vector<16xf32>, vector<16xi32> -> vector<16xf32>
      %lt3A_1038 = arith.constant 0 : i32
      %lt3A_1039 = vector.broadcast %lt3A_1038 : i32 to vector<16xi32>
      %lt3A_1040 = arith.cmpi slt, %select_n3A_77, %lt3A_1039 : vector<16xi32>
      %add3A_1041 = arith.constant 16 : i32
      %add3A_1042 = vector.broadcast %add3A_1041 : i32 to vector<16xi32>
      %add3A_1043 = arith.addi %select_n3A_77, %add3A_1042 : vector<16xi32>
      %select_n3A_1044 = arith.select %lt3A_1040, %add3A_1043, %select_n3A_77 : vector<16xi1>, vector<16xi32>
      %broadcast_in_dim3A_1045 = vector.shape_cast %select_n3A_1044 : vector<16xi32> to vector<16x1xi32>
      %gather3A_1046 = vector.shape_cast %broadcast_in_dim3A_1045 : vector<16x1xi32> to vector<16xi32>
      %gather3A_1047 = tpu.dynamic_gather %select_n3A_1027[%gather3A_1046] in [0] : vector<16xi32>, vector<16xi32> -> vector<16xi32>
      %lt3A_1048 = arith.cmpf olt, %gather3A_1037, %select_n3A_1025 : vector<16xf32>
      %eq3A_1049 = arith.cmpf oeq, %gather3A_1037, %select_n3A_1025 : vector<16xf32>
      %lt3A_1050 = arith.cmpi slt, %gather3A_1047, %select_n3A_1027 : vector<16xi32>
      %and3A_1051 = arith.andi %eq3A_1049, %lt3A_1050 : vector<16xi1>
      %select_n3A_1052 = arith.select %lt3A_1048, %gather3A_1037, %select_n3A_1025 : vector<16xi1>, vector<16xf32>
      %or3A_1053 = arith.ori %lt3A_1048, %and3A_1051 : vector<16xi1>
      %select_n3A_1054 = arith.select %or3A_1053, %gather3A_1047, %select_n3A_1027 : vector<16xi1>, vector<16xi32>
      %lt3A_1055 = arith.constant 0 : i32
      %lt3A_1056 = vector.broadcast %lt3A_1055 : i32 to vector<16xi32>
      %lt3A_1057 = arith.cmpi slt, %select_n3A_102, %lt3A_1056 : vector<16xi32>
      %add3A_1058 = arith.constant 16 : i32
      %add3A_1059 = vector.broadcast %add3A_1058 : i32 to vector<16xi32>
      %add3A_1060 = arith.addi %select_n3A_102, %add3A_1059 : vector<16xi32>
      %select_n3A_1061 = arith.select %lt3A_1057, %add3A_1060, %select_n3A_102 : vector<16xi1>, vector<16xi32>
      %broadcast_in_dim3A_1062 = vector.shape_cast %select_n3A_1061 : vector<16xi32> to vector<16x1xi32>
      %gather3A_1063 = vector.shape_cast %broadcast_in_dim3A_1062 : vector<16x1xi32> to vector<16xi32>
      %gather3A_1064 = tpu.dynamic_gather %select_n3A_1052[%gather3A_1063] in [0] : vector<16xf32>, vector<16xi32> -> vector<16xf32>
      %lt3A_1065 = arith.constant 0 : i32
      %lt3A_1066 = vector.broadcast %lt3A_1065 : i32 to vector<16xi32>
      %lt3A_1067 = arith.cmpi slt, %select_n3A_102, %lt3A_1066 : vector<16xi32>
      %add3A_1068 = arith.constant 16 : i32
      %add3A_1069 = vector.broadcast %add3A_1068 : i32 to vector<16xi32>
      %add3A_1070 = arith.addi %select_n3A_102, %add3A_1069 : vector<16xi32>
      %select_n3A_1071 = arith.select %lt3A_1067, %add3A_1070, %select_n3A_102 : vector<16xi1>, vector<16xi32>
      %broadcast_in_dim3A_1072 = vector.shape_cast %select_n3A_1071 : vector<16xi32> to vector<16x1xi32>
      %gather3A_1073 = vector.shape_cast %broadcast_in_dim3A_1072 : vector<16x1xi32> to vector<16xi32>
      %gather3A_1074 = tpu.dynamic_gather %select_n3A_1054[%gather3A_1073] in [0] : vector<16xi32>, vector<16xi32> -> vector<16xi32>
      %lt3A_1075 = arith.cmpf olt, %gather3A_1064, %select_n3A_1052 : vector<16xf32>
      %eq3A_1076 = arith.cmpf oeq, %gather3A_1064, %select_n3A_1052 : vector<16xf32>
      %lt3A_1077 = arith.cmpi slt, %gather3A_1074, %select_n3A_1054 : vector<16xi32>
      %and3A_1078 = arith.andi %eq3A_1076, %lt3A_1077 : vector<16xi1>
      %select_n3A_1079 = arith.select %lt3A_1075, %gather3A_1064, %select_n3A_1052 : vector<16xi1>, vector<16xf32>
      %or3A_1080 = arith.ori %lt3A_1075, %and3A_1078 : vector<16xi1>
      %select_n3A_1081 = arith.select %or3A_1080, %gather3A_1074, %select_n3A_1054 : vector<16xi1>, vector<16xi32>
      %slice3A_1082 = vector.extract_strided_slice %select_n3A_1081 {offsets = [0], sizes = [1], strides = [1]} : vector<16xi32> to vector<1xi32>
      %squeeze3A_1083 = vector.extract %slice3A_1082[0] : i32 from vector<1xi32>
      tpu.wait_dma2 semaphore(%arg11 : memref<!tpu.dma_semaphore, #tpu.memory_space<semaphore_mem>>) src(%arg4 : memref<128xf32, #tpu.memory_space<hbm>>) dst(%arg7 : memref<128xf32, #tpu.memory_space<vmem>>)
      tpu.wait_dma2 semaphore(%arg11 : memref<!tpu.dma_semaphore, #tpu.memory_space<semaphore_mem>>) src(%arg3 : memref<8320xf32, #tpu.memory_space<hbm>>) dst(%arg8 : memref<8320xf32, #tpu.memory_space<vmem>>)
      %mul3A_1084 = arith.constant 128 : i32
      %mul3A_1085 = arith.muli %squeeze3A_323, %mul3A_1084 : i32
      %add3A_1086 = arith.constant 0 : i32
      %add3A_1087 = arith.addi %mul3A_1085, %add3A_1086 : i32
      %get3A_1088 = arith.index_cast %add3A_1087 : i32 to index
      %get3A_1089 = tpu.vector_load %arg8[%get3A_1088] {strides = array<i32>} : memref<8320xf32, #tpu.memory_space<vmem>>, vector<16xf32>,
      %get3A_1090 = vector.shape_cast %get3A_1089 : vector<16xf32> to vector<16xf32>
      %get3A_1091 = arith.constant 0 : index
      %get3A_1092 = tpu.vector_load %arg7[%get3A_1091] {strides = array<i32>} : memref<128xf32, #tpu.memory_space<vmem>>, vector<16xf32>,
      %get3A_1093 = vector.shape_cast %get3A_1092 : vector<16xf32> to vector<16xf32>
      %add3A_1094 = arith.addf %get3A_1090, %get3A_1093 : vector<16xf32>
      %swap3A = arith.constant 0 : index
      %swap3A_1095 = tpu.vector_load %arg9[%swap3A] {strides = array<i32>} : memref<640xf32, #tpu.memory_space<vmem>>, vector<16xf32>,
      %swap3A_1096 = vector.shape_cast %swap3A_1095 : vector<16xf32> to vector<16xf32>
      %swap3A_1097 = vector.shape_cast %add3A_1094 : vector<16xf32> to vector<16xf32>
      tpu.vector_store %arg9[%swap3A], %swap3A_1097 {strides = array<i32>} : memref<640xf32, #tpu.memory_space<vmem>>, vector<16xf32>,
      %add3A_1098 = arith.constant 16 : i32
      %add3A_1099 = arith.addi %mul3A_1085, %add3A_1098 : i32
      %get3A_1100 = arith.index_cast %add3A_1099 : i32 to index
      %get3A_1101 = tpu.vector_load %arg8[%get3A_1100] {strides = array<i32>} : memref<8320xf32, #tpu.memory_space<vmem>>, vector<16xf32>,
      %get3A_1102 = vector.shape_cast %get3A_1101 : vector<16xf32> to vector<16xf32>
      %get3A_1103 = arith.constant 16 : index
      %get3A_1104 = tpu.vector_load %arg7[%get3A_1103] {strides = array<i32>} : memref<128xf32, #tpu.memory_space<vmem>>, vector<16xf32>,
      %get3A_1105 = vector.shape_cast %get3A_1104 : vector<16xf32> to vector<16xf32>
      %add3A_1106 = arith.addf %get3A_1102, %get3A_1105 : vector<16xf32>
      %swap3A_1107 = arith.constant 16 : index
      %swap3A_1108 = tpu.vector_load %arg9[%swap3A_1107] {strides = array<i32>} : memref<640xf32, #tpu.memory_space<vmem>>, vector<16xf32>,
      %swap3A_1109 = vector.shape_cast %swap3A_1108 : vector<16xf32> to vector<16xf32>
      %swap3A_1110 = vector.shape_cast %add3A_1106 : vector<16xf32> to vector<16xf32>
      tpu.vector_store %arg9[%swap3A_1107], %swap3A_1110 {strides = array<i32>} : memref<640xf32, #tpu.memory_space<vmem>>, vector<16xf32>,
      %add3A_1111 = arith.constant 32 : i32
      %add3A_1112 = arith.addi %mul3A_1085, %add3A_1111 : i32
      %get3A_1113 = arith.index_cast %add3A_1112 : i32 to index
      %get3A_1114 = tpu.vector_load %arg8[%get3A_1113] {strides = array<i32>} : memref<8320xf32, #tpu.memory_space<vmem>>, vector<16xf32>,
      %get3A_1115 = vector.shape_cast %get3A_1114 : vector<16xf32> to vector<16xf32>
      %get3A_1116 = arith.constant 32 : index
      %get3A_1117 = tpu.vector_load %arg7[%get3A_1116] {strides = array<i32>} : memref<128xf32, #tpu.memory_space<vmem>>, vector<16xf32>,
      %get3A_1118 = vector.shape_cast %get3A_1117 : vector<16xf32> to vector<16xf32>
      %add3A_1119 = arith.addf %get3A_1115, %get3A_1118 : vector<16xf32>
      %swap3A_1120 = arith.constant 32 : index
      %swap3A_1121 = tpu.vector_load %arg9[%swap3A_1120] {strides = array<i32>} : memref<640xf32, #tpu.memory_space<vmem>>, vector<16xf32>,
      %swap3A_1122 = vector.shape_cast %swap3A_1121 : vector<16xf32> to vector<16xf32>
      %swap3A_1123 = vector.shape_cast %add3A_1119 : vector<16xf32> to vector<16xf32>
      tpu.vector_store %arg9[%swap3A_1120], %swap3A_1123 {strides = array<i32>} : memref<640xf32, #tpu.memory_space<vmem>>, vector<16xf32>,
      %add3A_1124 = arith.constant 48 : i32
      %add3A_1125 = arith.addi %mul3A_1085, %add3A_1124 : i32
      %get3A_1126 = arith.index_cast %add3A_1125 : i32 to index
      %get3A_1127 = tpu.vector_load %arg8[%get3A_1126] {strides = array<i32>} : memref<8320xf32, #tpu.memory_space<vmem>>, vector<16xf32>,
      %get3A_1128 = vector.shape_cast %get3A_1127 : vector<16xf32> to vector<16xf32>
      %get3A_1129 = arith.constant 48 : index
      %get3A_1130 = tpu.vector_load %arg7[%get3A_1129] {strides = array<i32>} : memref<128xf32, #tpu.memory_space<vmem>>, vector<16xf32>,
      %get3A_1131 = vector.shape_cast %get3A_1130 : vector<16xf32> to vector<16xf32>
      %add3A_1132 = arith.addf %get3A_1128, %get3A_1131 : vector<16xf32>
      %swap3A_1133 = arith.constant 48 : index
      %swap3A_1134 = tpu.vector_load %arg9[%swap3A_1133] {strides = array<i32>} : memref<640xf32, #tpu.memory_space<vmem>>, vector<16xf32>,
      %swap3A_1135 = vector.shape_cast %swap3A_1134 : vector<16xf32> to vector<16xf32>
      %swap3A_1136 = vector.shape_cast %add3A_1132 : vector<16xf32> to vector<16xf32>
      tpu.vector_store %arg9[%swap3A_1133], %swap3A_1136 {strides = array<i32>} : memref<640xf32, #tpu.memory_space<vmem>>, vector<16xf32>,
      %add3A_1137 = arith.constant 64 : i32
      %add3A_1138 = arith.addi %mul3A_1085, %add3A_1137 : i32
      %get3A_1139 = arith.index_cast %add3A_1138 : i32 to index
      %get3A_1140 = tpu.vector_load %arg8[%get3A_1139] {strides = array<i32>} : memref<8320xf32, #tpu.memory_space<vmem>>, vector<16xf32>,
      %get3A_1141 = vector.shape_cast %get3A_1140 : vector<16xf32> to vector<16xf32>
      %get3A_1142 = arith.constant 64 : index
      %get3A_1143 = tpu.vector_load %arg7[%get3A_1142] {strides = array<i32>} : memref<128xf32, #tpu.memory_space<vmem>>, vector<16xf32>,
      %get3A_1144 = vector.shape_cast %get3A_1143 : vector<16xf32> to vector<16xf32>
      %add3A_1145 = arith.addf %get3A_1141, %get3A_1144 : vector<16xf32>
      %swap3A_1146 = arith.constant 64 : index
      %swap3A_1147 = tpu.vector_load %arg9[%swap3A_1146] {strides = array<i32>} : memref<640xf32, #tpu.memory_space<vmem>>, vector<16xf32>,
      %swap3A_1148 = vector.shape_cast %swap3A_1147 : vector<16xf32> to vector<16xf32>
      %swap3A_1149 = vector.shape_cast %add3A_1145 : vector<16xf32> to vector<16xf32>
      tpu.vector_store %arg9[%swap3A_1146], %swap3A_1149 {strides = array<i32>} : memref<640xf32, #tpu.memory_space<vmem>>, vector<16xf32>,
      %add3A_1150 = arith.constant 80 : i32
      %add3A_1151 = arith.addi %mul3A_1085, %add3A_1150 : i32
      %get3A_1152 = arith.index_cast %add3A_1151 : i32 to index
      %get3A_1153 = tpu.vector_load %arg8[%get3A_1152] {strides = array<i32>} : memref<8320xf32, #tpu.memory_space<vmem>>, vector<16xf32>,
      %get3A_1154 = vector.shape_cast %get3A_1153 : vector<16xf32> to vector<16xf32>
      %get3A_1155 = arith.constant 80 : index
      %get3A_1156 = tpu.vector_load %arg7[%get3A_1155] {strides = array<i32>} : memref<128xf32, #tpu.memory_space<vmem>>, vector<16xf32>,
      %get3A_1157 = vector.shape_cast %get3A_1156 : vector<16xf32> to vector<16xf32>
      %add3A_1158 = arith.addf %get3A_1154, %get3A_1157 : vector<16xf32>
      %swap3A_1159 = arith.constant 80 : index
      %swap3A_1160 = tpu.vector_load %arg9[%swap3A_1159] {strides = array<i32>} : memref<640xf32, #tpu.memory_space<vmem>>, vector<16xf32>,
      %swap3A_1161 = vector.shape_cast %swap3A_1160 : vector<16xf32> to vector<16xf32>
      %swap3A_1162 = vector.shape_cast %add3A_1158 : vector<16xf32> to vector<16xf32>
      tpu.vector_store %arg9[%swap3A_1159], %swap3A_1162 {strides = array<i32>} : memref<640xf32, #tpu.memory_space<vmem>>, vector<16xf32>,
      %add3A_1163 = arith.constant 96 : i32
      %add3A_1164 = arith.addi %mul3A_1085, %add3A_1163 : i32
      %get3A_1165 = arith.index_cast %add3A_1164 : i32 to index
      %get3A_1166 = tpu.vector_load %arg8[%get3A_1165] {strides = array<i32>} : memref<8320xf32, #tpu.memory_space<vmem>>, vector<16xf32>,
      %get3A_1167 = vector.shape_cast %get3A_1166 : vector<16xf32> to vector<16xf32>
      %get3A_1168 = arith.constant 96 : index
      %get3A_1169 = tpu.vector_load %arg7[%get3A_1168] {strides = array<i32>} : memref<128xf32, #tpu.memory_space<vmem>>, vector<16xf32>,
      %get3A_1170 = vector.shape_cast %get3A_1169 : vector<16xf32> to vector<16xf32>
      %add3A_1171 = arith.addf %get3A_1167, %get3A_1170 : vector<16xf32>
      %swap3A_1172 = arith.constant 96 : index
      %swap3A_1173 = tpu.vector_load %arg9[%swap3A_1172] {strides = array<i32>} : memref<640xf32, #tpu.memory_space<vmem>>, vector<16xf32>,
      %swap3A_1174 = vector.shape_cast %swap3A_1173 : vector<16xf32> to vector<16xf32>
      %swap3A_1175 = vector.shape_cast %add3A_1171 : vector<16xf32> to vector<16xf32>
      tpu.vector_store %arg9[%swap3A_1172], %swap3A_1175 {strides = array<i32>} : memref<640xf32, #tpu.memory_space<vmem>>, vector<16xf32>,
      %add3A_1176 = arith.constant 112 : i32
      %add3A_1177 = arith.addi %mul3A_1085, %add3A_1176 : i32
      %get3A_1178 = arith.index_cast %add3A_1177 : i32 to index
      %get3A_1179 = tpu.vector_load %arg8[%get3A_1178] {strides = array<i32>} : memref<8320xf32, #tpu.memory_space<vmem>>, vector<16xf32>,
      %get3A_1180 = vector.shape_cast %get3A_1179 : vector<16xf32> to vector<16xf32>
      %get3A_1181 = arith.constant 112 : index
      %get3A_1182 = tpu.vector_load %arg7[%get3A_1181] {strides = array<i32>} : memref<128xf32, #tpu.memory_space<vmem>>, vector<16xf32>,
      %get3A_1183 = vector.shape_cast %get3A_1182 : vector<16xf32> to vector<16xf32>
      %add3A_1184 = arith.addf %get3A_1180, %get3A_1183 : vector<16xf32>
      %swap3A_1185 = arith.constant 112 : index
      %swap3A_1186 = tpu.vector_load %arg9[%swap3A_1185] {strides = array<i32>} : memref<640xf32, #tpu.memory_space<vmem>>, vector<16xf32>,
      %swap3A_1187 = vector.shape_cast %swap3A_1186 : vector<16xf32> to vector<16xf32>
      %swap3A_1188 = vector.shape_cast %add3A_1184 : vector<16xf32> to vector<16xf32>
      tpu.vector_store %arg9[%swap3A_1185], %swap3A_1188 {strides = array<i32>} : memref<640xf32, #tpu.memory_space<vmem>>, vector<16xf32>,
      %add3A_1189 = arith.constant 0 : i32
      %add3A_1190 = arith.addi %mul3A_103, %add3A_1189 : i32
      %mul3A_1191 = arith.constant 128 : i32
      %mul3A_1192 = arith.muli %add3A_1190, %mul3A_1191 : i32
      %dma_start3A_1193 = arith.constant 0 : i32
      %dma_start3A_1194 = tpu.memref_slice %arg9[%dma_start3A_1193] : memref<640xf32, #tpu.memory_space<vmem>> -> memref<128xf32, #tpu.memory_space<vmem>>
      %dma_start3A_1195 = tpu.memref_slice %arg5[%mul3A_1192] : memref<8320xf32, #tpu.memory_space<hbm>> -> memref<128xf32, #tpu.memory_space<hbm>>
      %dma_start3A_1196 = tpu.memref_slice %arg5[%mul3A_1192] : memref<8320xf32, #tpu.memory_space<hbm>> -> memref<128xf32, #tpu.memory_space<hbm>>
      %dma_start3A_1197 = arith.constant 0 : i32
      %dma_start3A_1198 = tpu.memref_slice %arg9[%dma_start3A_1197] : memref<640xf32, #tpu.memory_space<vmem>> -> memref<128xf32, #tpu.memory_space<vmem>>
      tpu.enqueue_dma source(%dma_start3A_1198 : memref<128xf32, #tpu.memory_space<vmem>>) target(%dma_start3A_1196 : memref<128xf32, #tpu.memory_space<hbm>>) target_semaphore(%arg12 : memref<!tpu.dma_semaphore, #tpu.memory_space<semaphore_mem>>)
      %mul3A_1199 = arith.constant 128 : i32
      %mul3A_1200 = arith.muli %squeeze3A_513, %mul3A_1199 : i32
      %add3A_1201 = arith.constant 0 : i32
      %add3A_1202 = arith.addi %mul3A_1200, %add3A_1201 : i32
      %get3A_1203 = arith.index_cast %add3A_1202 : i32 to index
      %get3A_1204 = tpu.vector_load %arg8[%get3A_1203] {strides = array<i32>} : memref<8320xf32, #tpu.memory_space<vmem>>, vector<16xf32>,
      %get3A_1205 = vector.shape_cast %get3A_1204 : vector<16xf32> to vector<16xf32>
      %get3A_1206 = arith.constant 0 : index
      %get3A_1207 = tpu.vector_load %arg7[%get3A_1206] {strides = array<i32>} : memref<128xf32, #tpu.memory_space<vmem>>, vector<16xf32>,
      %get3A_1208 = vector.shape_cast %get3A_1207 : vector<16xf32> to vector<16xf32>
      %add3A_1209 = arith.addf %get3A_1205, %get3A_1208 : vector<16xf32>
      %swap3A_1210 = arith.constant 128 : index
      %swap3A_1211 = tpu.vector_load %arg9[%swap3A_1210] {strides = array<i32>} : memref<640xf32, #tpu.memory_space<vmem>>, vector<16xf32>,
      %swap3A_1212 = vector.shape_cast %swap3A_1211 : vector<16xf32> to vector<16xf32>
      %swap3A_1213 = vector.shape_cast %add3A_1209 : vector<16xf32> to vector<16xf32>
      tpu.vector_store %arg9[%swap3A_1210], %swap3A_1213 {strides = array<i32>} : memref<640xf32, #tpu.memory_space<vmem>>, vector<16xf32>,
      %add3A_1214 = arith.constant 16 : i32
      %add3A_1215 = arith.addi %mul3A_1200, %add3A_1214 : i32
      %get3A_1216 = arith.index_cast %add3A_1215 : i32 to index
      %get3A_1217 = tpu.vector_load %arg8[%get3A_1216] {strides = array<i32>} : memref<8320xf32, #tpu.memory_space<vmem>>, vector<16xf32>,
      %get3A_1218 = vector.shape_cast %get3A_1217 : vector<16xf32> to vector<16xf32>
      %get3A_1219 = arith.constant 16 : index
      %get3A_1220 = tpu.vector_load %arg7[%get3A_1219] {strides = array<i32>} : memref<128xf32, #tpu.memory_space<vmem>>, vector<16xf32>,
      %get3A_1221 = vector.shape_cast %get3A_1220 : vector<16xf32> to vector<16xf32>
      %add3A_1222 = arith.addf %get3A_1218, %get3A_1221 : vector<16xf32>
      %swap3A_1223 = arith.constant 144 : index
      %swap3A_1224 = tpu.vector_load %arg9[%swap3A_1223] {strides = array<i32>} : memref<640xf32, #tpu.memory_space<vmem>>, vector<16xf32>,
      %swap3A_1225 = vector.shape_cast %swap3A_1224 : vector<16xf32> to vector<16xf32>
      %swap3A_1226 = vector.shape_cast %add3A_1222 : vector<16xf32> to vector<16xf32>
      tpu.vector_store %arg9[%swap3A_1223], %swap3A_1226 {strides = array<i32>} : memref<640xf32, #tpu.memory_space<vmem>>, vector<16xf32>,
      %add3A_1227 = arith.constant 32 : i32
      %add3A_1228 = arith.addi %mul3A_1200, %add3A_1227 : i32
      %get3A_1229 = arith.index_cast %add3A_1228 : i32 to index
      %get3A_1230 = tpu.vector_load %arg8[%get3A_1229] {strides = array<i32>} : memref<8320xf32, #tpu.memory_space<vmem>>, vector<16xf32>,
      %get3A_1231 = vector.shape_cast %get3A_1230 : vector<16xf32> to vector<16xf32>
      %get3A_1232 = arith.constant 32 : index
      %get3A_1233 = tpu.vector_load %arg7[%get3A_1232] {strides = array<i32>} : memref<128xf32, #tpu.memory_space<vmem>>, vector<16xf32>,
      %get3A_1234 = vector.shape_cast %get3A_1233 : vector<16xf32> to vector<16xf32>
      %add3A_1235 = arith.addf %get3A_1231, %get3A_1234 : vector<16xf32>
      %swap3A_1236 = arith.constant 160 : index
      %swap3A_1237 = tpu.vector_load %arg9[%swap3A_1236] {strides = array<i32>} : memref<640xf32, #tpu.memory_space<vmem>>, vector<16xf32>,
      %swap3A_1238 = vector.shape_cast %swap3A_1237 : vector<16xf32> to vector<16xf32>
      %swap3A_1239 = vector.shape_cast %add3A_1235 : vector<16xf32> to vector<16xf32>
      tpu.vector_store %arg9[%swap3A_1236], %swap3A_1239 {strides = array<i32>} : memref<640xf32, #tpu.memory_space<vmem>>, vector<16xf32>,
      %add3A_1240 = arith.constant 48 : i32
      %add3A_1241 = arith.addi %mul3A_1200, %add3A_1240 : i32
      %get3A_1242 = arith.index_cast %add3A_1241 : i32 to index
      %get3A_1243 = tpu.vector_load %arg8[%get3A_1242] {strides = array<i32>} : memref<8320xf32, #tpu.memory_space<vmem>>, vector<16xf32>,
      %get3A_1244 = vector.shape_cast %get3A_1243 : vector<16xf32> to vector<16xf32>
      %get3A_1245 = arith.constant 48 : index
      %get3A_1246 = tpu.vector_load %arg7[%get3A_1245] {strides = array<i32>} : memref<128xf32, #tpu.memory_space<vmem>>, vector<16xf32>,
      %get3A_1247 = vector.shape_cast %get3A_1246 : vector<16xf32> to vector<16xf32>
      %add3A_1248 = arith.addf %get3A_1244, %get3A_1247 : vector<16xf32>
      %swap3A_1249 = arith.constant 176 : index
      %swap3A_1250 = tpu.vector_load %arg9[%swap3A_1249] {strides = array<i32>} : memref<640xf32, #tpu.memory_space<vmem>>, vector<16xf32>,
      %swap3A_1251 = vector.shape_cast %swap3A_1250 : vector<16xf32> to vector<16xf32>
      %swap3A_1252 = vector.shape_cast %add3A_1248 : vector<16xf32> to vector<16xf32>
      tpu.vector_store %arg9[%swap3A_1249], %swap3A_1252 {strides = array<i32>} : memref<640xf32, #tpu.memory_space<vmem>>, vector<16xf32>,
      %add3A_1253 = arith.constant 64 : i32
      %add3A_1254 = arith.addi %mul3A_1200, %add3A_1253 : i32
      %get3A_1255 = arith.index_cast %add3A_1254 : i32 to index
      %get3A_1256 = tpu.vector_load %arg8[%get3A_1255] {strides = array<i32>} : memref<8320xf32, #tpu.memory_space<vmem>>, vector<16xf32>,
      %get3A_1257 = vector.shape_cast %get3A_1256 : vector<16xf32> to vector<16xf32>
      %get3A_1258 = arith.constant 64 : index
      %get3A_1259 = tpu.vector_load %arg7[%get3A_1258] {strides = array<i32>} : memref<128xf32, #tpu.memory_space<vmem>>, vector<16xf32>,
      %get3A_1260 = vector.shape_cast %get3A_1259 : vector<16xf32> to vector<16xf32>
      %add3A_1261 = arith.addf %get3A_1257, %get3A_1260 : vector<16xf32>
      %swap3A_1262 = arith.constant 192 : index
      %swap3A_1263 = tpu.vector_load %arg9[%swap3A_1262] {strides = array<i32>} : memref<640xf32, #tpu.memory_space<vmem>>, vector<16xf32>,
      %swap3A_1264 = vector.shape_cast %swap3A_1263 : vector<16xf32> to vector<16xf32>
      %swap3A_1265 = vector.shape_cast %add3A_1261 : vector<16xf32> to vector<16xf32>
      tpu.vector_store %arg9[%swap3A_1262], %swap3A_1265 {strides = array<i32>} : memref<640xf32, #tpu.memory_space<vmem>>, vector<16xf32>,
      %add3A_1266 = arith.constant 80 : i32
      %add3A_1267 = arith.addi %mul3A_1200, %add3A_1266 : i32
      %get3A_1268 = arith.index_cast %add3A_1267 : i32 to index
      %get3A_1269 = tpu.vector_load %arg8[%get3A_1268] {strides = array<i32>} : memref<8320xf32, #tpu.memory_space<vmem>>, vector<16xf32>,
      %get3A_1270 = vector.shape_cast %get3A_1269 : vector<16xf32> to vector<16xf32>
      %get3A_1271 = arith.constant 80 : index
      %get3A_1272 = tpu.vector_load %arg7[%get3A_1271] {strides = array<i32>} : memref<128xf32, #tpu.memory_space<vmem>>, vector<16xf32>,
      %get3A_1273 = vector.shape_cast %get3A_1272 : vector<16xf32> to vector<16xf32>
      %add3A_1274 = arith.addf %get3A_1270, %get3A_1273 : vector<16xf32>
      %swap3A_1275 = arith.constant 208 : index
      %swap3A_1276 = tpu.vector_load %arg9[%swap3A_1275] {strides = array<i32>} : memref<640xf32, #tpu.memory_space<vmem>>, vector<16xf32>,
      %swap3A_1277 = vector.shape_cast %swap3A_1276 : vector<16xf32> to vector<16xf32>
      %swap3A_1278 = vector.shape_cast %add3A_1274 : vector<16xf32> to vector<16xf32>
      tpu.vector_store %arg9[%swap3A_1275], %swap3A_1278 {strides = array<i32>} : memref<640xf32, #tpu.memory_space<vmem>>, vector<16xf32>,
      %add3A_1279 = arith.constant 96 : i32
      %add3A_1280 = arith.addi %mul3A_1200, %add3A_1279 : i32
      %get3A_1281 = arith.index_cast %add3A_1280 : i32 to index
      %get3A_1282 = tpu.vector_load %arg8[%get3A_1281] {strides = array<i32>} : memref<8320xf32, #tpu.memory_space<vmem>>, vector<16xf32>,
      %get3A_1283 = vector.shape_cast %get3A_1282 : vector<16xf32> to vector<16xf32>
      %get3A_1284 = arith.constant 96 : index
      %get3A_1285 = tpu.vector_load %arg7[%get3A_1284] {strides = array<i32>} : memref<128xf32, #tpu.memory_space<vmem>>, vector<16xf32>,
      %get3A_1286 = vector.shape_cast %get3A_1285 : vector<16xf32> to vector<16xf32>
      %add3A_1287 = arith.addf %get3A_1283, %get3A_1286 : vector<16xf32>
      %swap3A_1288 = arith.constant 224 : index
      %swap3A_1289 = tpu.vector_load %arg9[%swap3A_1288] {strides = array<i32>} : memref<640xf32, #tpu.memory_space<vmem>>, vector<16xf32>,
      %swap3A_1290 = vector.shape_cast %swap3A_1289 : vector<16xf32> to vector<16xf32>
      %swap3A_1291 = vector.shape_cast %add3A_1287 : vector<16xf32> to vector<16xf32>
      tpu.vector_store %arg9[%swap3A_1288], %swap3A_1291 {strides = array<i32>} : memref<640xf32, #tpu.memory_space<vmem>>, vector<16xf32>,
      %add3A_1292 = arith.constant 112 : i32
      %add3A_1293 = arith.addi %mul3A_1200, %add3A_1292 : i32
      %get3A_1294 = arith.index_cast %add3A_1293 : i32 to index
      %get3A_1295 = tpu.vector_load %arg8[%get3A_1294] {strides = array<i32>} : memref<8320xf32, #tpu.memory_space<vmem>>, vector<16xf32>,
      %get3A_1296 = vector.shape_cast %get3A_1295 : vector<16xf32> to vector<16xf32>
      %get3A_1297 = arith.constant 112 : index
      %get3A_1298 = tpu.vector_load %arg7[%get3A_1297] {strides = array<i32>} : memref<128xf32, #tpu.memory_space<vmem>>, vector<16xf32>,
      %get3A_1299 = vector.shape_cast %get3A_1298 : vector<16xf32> to vector<16xf32>
      %add3A_1300 = arith.addf %get3A_1296, %get3A_1299 : vector<16xf32>
      %swap3A_1301 = arith.constant 240 : index
      %swap3A_1302 = tpu.vector_load %arg9[%swap3A_1301] {strides = array<i32>} : memref<640xf32, #tpu.memory_space<vmem>>, vector<16xf32>,
      %swap3A_1303 = vector.shape_cast %swap3A_1302 : vector<16xf32> to vector<16xf32>
      %swap3A_1304 = vector.shape_cast %add3A_1300 : vector<16xf32> to vector<16xf32>
      tpu.vector_store %arg9[%swap3A_1301], %swap3A_1304 {strides = array<i32>} : memref<640xf32, #tpu.memory_space<vmem>>, vector<16xf32>,
      %add3A_1305 = arith.constant 1 : i32
      %add3A_1306 = arith.addi %mul3A_103, %add3A_1305 : i32
      %mul3A_1307 = arith.constant 128 : i32
      %mul3A_1308 = arith.muli %add3A_1306, %mul3A_1307 : i32
      %dma_start3A_1309 = arith.constant 128 : i32
      %dma_start3A_1310 = tpu.memref_slice %arg9[%dma_start3A_1309] : memref<640xf32, #tpu.memory_space<vmem>> -> memref<128xf32, #tpu.memory_space<vmem>>
      %dma_start3A_1311 = tpu.memref_slice %arg5[%mul3A_1308] : memref<8320xf32, #tpu.memory_space<hbm>> -> memref<128xf32, #tpu.memory_space<hbm>>
      %dma_start3A_1312 = tpu.memref_slice %arg5[%mul3A_1308] : memref<8320xf32, #tpu.memory_space<hbm>> -> memref<128xf32, #tpu.memory_space<hbm>>
      %dma_start3A_1313 = arith.constant 128 : i32
      %dma_start3A_1314 = tpu.memref_slice %arg9[%dma_start3A_1313] : memref<640xf32, #tpu.memory_space<vmem>> -> memref<128xf32, #tpu.memory_space<vmem>>
      tpu.enqueue_dma source(%dma_start3A_1314 : memref<128xf32, #tpu.memory_space<vmem>>) target(%dma_start3A_1312 : memref<128xf32, #tpu.memory_space<hbm>>) target_semaphore(%arg12 : memref<!tpu.dma_semaphore, #tpu.memory_space<semaphore_mem>>)
      %mul3A_1315 = arith.constant 128 : i32
      %mul3A_1316 = arith.muli %squeeze3A_703, %mul3A_1315 : i32
      %add3A_1317 = arith.constant 0 : i32
      %add3A_1318 = arith.addi %mul3A_1316, %add3A_1317 : i32
      %get3A_1319 = arith.index_cast %add3A_1318 : i32 to index
      %get3A_1320 = tpu.vector_load %arg8[%get3A_1319] {strides = array<i32>} : memref<8320xf32, #tpu.memory_space<vmem>>, vector<16xf32>,
      %get3A_1321 = vector.shape_cast %get3A_1320 : vector<16xf32> to vector<16xf32>
      %get3A_1322 = arith.constant 0 : index
      %get3A_1323 = tpu.vector_load %arg7[%get3A_1322] {strides = array<i32>} : memref<128xf32, #tpu.memory_space<vmem>>, vector<16xf32>,
      %get3A_1324 = vector.shape_cast %get3A_1323 : vector<16xf32> to vector<16xf32>
      %add3A_1325 = arith.addf %get3A_1321, %get3A_1324 : vector<16xf32>
      %swap3A_1326 = arith.constant 256 : index
      %swap3A_1327 = tpu.vector_load %arg9[%swap3A_1326] {strides = array<i32>} : memref<640xf32, #tpu.memory_space<vmem>>, vector<16xf32>,
      %swap3A_1328 = vector.shape_cast %swap3A_1327 : vector<16xf32> to vector<16xf32>
      %swap3A_1329 = vector.shape_cast %add3A_1325 : vector<16xf32> to vector<16xf32>
      tpu.vector_store %arg9[%swap3A_1326], %swap3A_1329 {strides = array<i32>} : memref<640xf32, #tpu.memory_space<vmem>>, vector<16xf32>,
      %add3A_1330 = arith.constant 16 : i32
      %add3A_1331 = arith.addi %mul3A_1316, %add3A_1330 : i32
      %get3A_1332 = arith.index_cast %add3A_1331 : i32 to index
      %get3A_1333 = tpu.vector_load %arg8[%get3A_1332] {strides = array<i32>} : memref<8320xf32, #tpu.memory_space<vmem>>, vector<16xf32>,
      %get3A_1334 = vector.shape_cast %get3A_1333 : vector<16xf32> to vector<16xf32>
      %get3A_1335 = arith.constant 16 : index
      %get3A_1336 = tpu.vector_load %arg7[%get3A_1335] {strides = array<i32>} : memref<128xf32, #tpu.memory_space<vmem>>, vector<16xf32>,
      %get3A_1337 = vector.shape_cast %get3A_1336 : vector<16xf32> to vector<16xf32>
      %add3A_1338 = arith.addf %get3A_1334, %get3A_1337 : vector<16xf32>
      %swap3A_1339 = arith.constant 272 : index
      %swap3A_1340 = tpu.vector_load %arg9[%swap3A_1339] {strides = array<i32>} : memref<640xf32, #tpu.memory_space<vmem>>, vector<16xf32>,
      %swap3A_1341 = vector.shape_cast %swap3A_1340 : vector<16xf32> to vector<16xf32>
      %swap3A_1342 = vector.shape_cast %add3A_1338 : vector<16xf32> to vector<16xf32>
      tpu.vector_store %arg9[%swap3A_1339], %swap3A_1342 {strides = array<i32>} : memref<640xf32, #tpu.memory_space<vmem>>, vector<16xf32>,
      %add3A_1343 = arith.constant 32 : i32
      %add3A_1344 = arith.addi %mul3A_1316, %add3A_1343 : i32
      %get3A_1345 = arith.index_cast %add3A_1344 : i32 to index
      %get3A_1346 = tpu.vector_load %arg8[%get3A_1345] {strides = array<i32>} : memref<8320xf32, #tpu.memory_space<vmem>>, vector<16xf32>,
      %get3A_1347 = vector.shape_cast %get3A_1346 : vector<16xf32> to vector<16xf32>
      %get3A_1348 = arith.constant 32 : index
      %get3A_1349 = tpu.vector_load %arg7[%get3A_1348] {strides = array<i32>} : memref<128xf32, #tpu.memory_space<vmem>>, vector<16xf32>,
      %get3A_1350 = vector.shape_cast %get3A_1349 : vector<16xf32> to vector<16xf32>
      %add3A_1351 = arith.addf %get3A_1347, %get3A_1350 : vector<16xf32>
      %swap3A_1352 = arith.constant 288 : index
      %swap3A_1353 = tpu.vector_load %arg9[%swap3A_1352] {strides = array<i32>} : memref<640xf32, #tpu.memory_space<vmem>>, vector<16xf32>,
      %swap3A_1354 = vector.shape_cast %swap3A_1353 : vector<16xf32> to vector<16xf32>
      %swap3A_1355 = vector.shape_cast %add3A_1351 : vector<16xf32> to vector<16xf32>
      tpu.vector_store %arg9[%swap3A_1352], %swap3A_1355 {strides = array<i32>} : memref<640xf32, #tpu.memory_space<vmem>>, vector<16xf32>,
      %add3A_1356 = arith.constant 48 : i32
      %add3A_1357 = arith.addi %mul3A_1316, %add3A_1356 : i32
      %get3A_1358 = arith.index_cast %add3A_1357 : i32 to index
      %get3A_1359 = tpu.vector_load %arg8[%get3A_1358] {strides = array<i32>} : memref<8320xf32, #tpu.memory_space<vmem>>, vector<16xf32>,
      %get3A_1360 = vector.shape_cast %get3A_1359 : vector<16xf32> to vector<16xf32>
      %get3A_1361 = arith.constant 48 : index
      %get3A_1362 = tpu.vector_load %arg7[%get3A_1361] {strides = array<i32>} : memref<128xf32, #tpu.memory_space<vmem>>, vector<16xf32>,
      %get3A_1363 = vector.shape_cast %get3A_1362 : vector<16xf32> to vector<16xf32>
      %add3A_1364 = arith.addf %get3A_1360, %get3A_1363 : vector<16xf32>
      %swap3A_1365 = arith.constant 304 : index
      %swap3A_1366 = tpu.vector_load %arg9[%swap3A_1365] {strides = array<i32>} : memref<640xf32, #tpu.memory_space<vmem>>, vector<16xf32>,
      %swap3A_1367 = vector.shape_cast %swap3A_1366 : vector<16xf32> to vector<16xf32>
      %swap3A_1368 = vector.shape_cast %add3A_1364 : vector<16xf32> to vector<16xf32>
      tpu.vector_store %arg9[%swap3A_1365], %swap3A_1368 {strides = array<i32>} : memref<640xf32, #tpu.memory_space<vmem>>, vector<16xf32>,
      %add3A_1369 = arith.constant 64 : i32
      %add3A_1370 = arith.addi %mul3A_1316, %add3A_1369 : i32
      %get3A_1371 = arith.index_cast %add3A_1370 : i32 to index
      %get3A_1372 = tpu.vector_load %arg8[%get3A_1371] {strides = array<i32>} : memref<8320xf32, #tpu.memory_space<vmem>>, vector<16xf32>,
      %get3A_1373 = vector.shape_cast %get3A_1372 : vector<16xf32> to vector<16xf32>
      %get3A_1374 = arith.constant 64 : index
      %get3A_1375 = tpu.vector_load %arg7[%get3A_1374] {strides = array<i32>} : memref<128xf32, #tpu.memory_space<vmem>>, vector<16xf32>,
      %get3A_1376 = vector.shape_cast %get3A_1375 : vector<16xf32> to vector<16xf32>
      %add3A_1377 = arith.addf %get3A_1373, %get3A_1376 : vector<16xf32>
      %swap3A_1378 = arith.constant 320 : index
      %swap3A_1379 = tpu.vector_load %arg9[%swap3A_1378] {strides = array<i32>} : memref<640xf32, #tpu.memory_space<vmem>>, vector<16xf32>,
      %swap3A_1380 = vector.shape_cast %swap3A_1379 : vector<16xf32> to vector<16xf32>
      %swap3A_1381 = vector.shape_cast %add3A_1377 : vector<16xf32> to vector<16xf32>
      tpu.vector_store %arg9[%swap3A_1378], %swap3A_1381 {strides = array<i32>} : memref<640xf32, #tpu.memory_space<vmem>>, vector<16xf32>,
      %add3A_1382 = arith.constant 80 : i32
      %add3A_1383 = arith.addi %mul3A_1316, %add3A_1382 : i32
      %get3A_1384 = arith.index_cast %add3A_1383 : i32 to index
      %get3A_1385 = tpu.vector_load %arg8[%get3A_1384] {strides = array<i32>} : memref<8320xf32, #tpu.memory_space<vmem>>, vector<16xf32>,
      %get3A_1386 = vector.shape_cast %get3A_1385 : vector<16xf32> to vector<16xf32>
      %get3A_1387 = arith.constant 80 : index
      %get3A_1388 = tpu.vector_load %arg7[%get3A_1387] {strides = array<i32>} : memref<128xf32, #tpu.memory_space<vmem>>, vector<16xf32>,
      %get3A_1389 = vector.shape_cast %get3A_1388 : vector<16xf32> to vector<16xf32>
      %add3A_1390 = arith.addf %get3A_1386, %get3A_1389 : vector<16xf32>
      %swap3A_1391 = arith.constant 336 : index
      %swap3A_1392 = tpu.vector_load %arg9[%swap3A_1391] {strides = array<i32>} : memref<640xf32, #tpu.memory_space<vmem>>, vector<16xf32>,
      %swap3A_1393 = vector.shape_cast %swap3A_1392 : vector<16xf32> to vector<16xf32>
      %swap3A_1394 = vector.shape_cast %add3A_1390 : vector<16xf32> to vector<16xf32>
      tpu.vector_store %arg9[%swap3A_1391], %swap3A_1394 {strides = array<i32>} : memref<640xf32, #tpu.memory_space<vmem>>, vector<16xf32>,
      %add3A_1395 = arith.constant 96 : i32
      %add3A_1396 = arith.addi %mul3A_1316, %add3A_1395 : i32
      %get3A_1397 = arith.index_cast %add3A_1396 : i32 to index
      %get3A_1398 = tpu.vector_load %arg8[%get3A_1397] {strides = array<i32>} : memref<8320xf32, #tpu.memory_space<vmem>>, vector<16xf32>,
      %get3A_1399 = vector.shape_cast %get3A_1398 : vector<16xf32> to vector<16xf32>
      %get3A_1400 = arith.constant 96 : index
      %get3A_1401 = tpu.vector_load %arg7[%get3A_1400] {strides = array<i32>} : memref<128xf32, #tpu.memory_space<vmem>>, vector<16xf32>,
      %get3A_1402 = vector.shape_cast %get3A_1401 : vector<16xf32> to vector<16xf32>
      %add3A_1403 = arith.addf %get3A_1399, %get3A_1402 : vector<16xf32>
      %swap3A_1404 = arith.constant 352 : index
      %swap3A_1405 = tpu.vector_load %arg9[%swap3A_1404] {strides = array<i32>} : memref<640xf32, #tpu.memory_space<vmem>>, vector<16xf32>,
      %swap3A_1406 = vector.shape_cast %swap3A_1405 : vector<16xf32> to vector<16xf32>
      %swap3A_1407 = vector.shape_cast %add3A_1403 : vector<16xf32> to vector<16xf32>
      tpu.vector_store %arg9[%swap3A_1404], %swap3A_1407 {strides = array<i32>} : memref<640xf32, #tpu.memory_space<vmem>>, vector<16xf32>,
      %add3A_1408 = arith.constant 112 : i32
      %add3A_1409 = arith.addi %mul3A_1316, %add3A_1408 : i32
      %get3A_1410 = arith.index_cast %add3A_1409 : i32 to index
      %get3A_1411 = tpu.vector_load %arg8[%get3A_1410] {strides = array<i32>} : memref<8320xf32, #tpu.memory_space<vmem>>, vector<16xf32>,
      %get3A_1412 = vector.shape_cast %get3A_1411 : vector<16xf32> to vector<16xf32>
      %get3A_1413 = arith.constant 112 : index
      %get3A_1414 = tpu.vector_load %arg7[%get3A_1413] {strides = array<i32>} : memref<128xf32, #tpu.memory_space<vmem>>, vector<16xf32>,
      %get3A_1415 = vector.shape_cast %get3A_1414 : vector<16xf32> to vector<16xf32>
      %add3A_1416 = arith.addf %get3A_1412, %get3A_1415 : vector<16xf32>
      %swap3A_1417 = arith.constant 368 : index
      %swap3A_1418 = tpu.vector_load %arg9[%swap3A_1417] {strides = array<i32>} : memref<640xf32, #tpu.memory_space<vmem>>, vector<16xf32>,
      %swap3A_1419 = vector.shape_cast %swap3A_1418 : vector<16xf32> to vector<16xf32>
      %swap3A_1420 = vector.shape_cast %add3A_1416 : vector<16xf32> to vector<16xf32>
      tpu.vector_store %arg9[%swap3A_1417], %swap3A_1420 {strides = array<i32>} : memref<640xf32, #tpu.memory_space<vmem>>, vector<16xf32>,
      %add3A_1421 = arith.constant 2 : i32
      %add3A_1422 = arith.addi %mul3A_103, %add3A_1421 : i32
      %mul3A_1423 = arith.constant 128 : i32
      %mul3A_1424 = arith.muli %add3A_1422, %mul3A_1423 : i32
      %dma_start3A_1425 = arith.constant 256 : i32
      %dma_start3A_1426 = tpu.memref_slice %arg9[%dma_start3A_1425] : memref<640xf32, #tpu.memory_space<vmem>> -> memref<128xf32, #tpu.memory_space<vmem>>
      %dma_start3A_1427 = tpu.memref_slice %arg5[%mul3A_1424] : memref<8320xf32, #tpu.memory_space<hbm>> -> memref<128xf32, #tpu.memory_space<hbm>>
      %dma_start3A_1428 = tpu.memref_slice %arg5[%mul3A_1424] : memref<8320xf32, #tpu.memory_space<hbm>> -> memref<128xf32, #tpu.memory_space<hbm>>
      %dma_start3A_1429 = arith.constant 256 : i32
      %dma_start3A_1430 = tpu.memref_slice %arg9[%dma_start3A_1429] : memref<640xf32, #tpu.memory_space<vmem>> -> memref<128xf32, #tpu.memory_space<vmem>>
      tpu.enqueue_dma source(%dma_start3A_1430 : memref<128xf32, #tpu.memory_space<vmem>>) target(%dma_start3A_1428 : memref<128xf32, #tpu.memory_space<hbm>>) target_semaphore(%arg12 : memref<!tpu.dma_semaphore, #tpu.memory_space<semaphore_mem>>)
      %mul3A_1431 = arith.constant 128 : i32
      %mul3A_1432 = arith.muli %squeeze3A_893, %mul3A_1431 : i32
      %add3A_1433 = arith.constant 0 : i32
      %add3A_1434 = arith.addi %mul3A_1432, %add3A_1433 : i32
      %get3A_1435 = arith.index_cast %add3A_1434 : i32 to index
      %get3A_1436 = tpu.vector_load %arg8[%get3A_1435] {strides = array<i32>} : memref<8320xf32, #tpu.memory_space<vmem>>, vector<16xf32>,
      %get3A_1437 = vector.shape_cast %get3A_1436 : vector<16xf32> to vector<16xf32>
      %get3A_1438 = arith.constant 0 : index
      %get3A_1439 = tpu.vector_load %arg7[%get3A_1438] {strides = array<i32>} : memref<128xf32, #tpu.memory_space<vmem>>, vector<16xf32>,
      %get3A_1440 = vector.shape_cast %get3A_1439 : vector<16xf32> to vector<16xf32>
      %add3A_1441 = arith.addf %get3A_1437, %get3A_1440 : vector<16xf32>
      %swap3A_1442 = arith.constant 384 : index
      %swap3A_1443 = tpu.vector_load %arg9[%swap3A_1442] {strides = array<i32>} : memref<640xf32, #tpu.memory_space<vmem>>, vector<16xf32>,
      %swap3A_1444 = vector.shape_cast %swap3A_1443 : vector<16xf32> to vector<16xf32>
      %swap3A_1445 = vector.shape_cast %add3A_1441 : vector<16xf32> to vector<16xf32>
      tpu.vector_store %arg9[%swap3A_1442], %swap3A_1445 {strides = array<i32>} : memref<640xf32, #tpu.memory_space<vmem>>, vector<16xf32>,
      %add3A_1446 = arith.constant 16 : i32
      %add3A_1447 = arith.addi %mul3A_1432, %add3A_1446 : i32
      %get3A_1448 = arith.index_cast %add3A_1447 : i32 to index
      %get3A_1449 = tpu.vector_load %arg8[%get3A_1448] {strides = array<i32>} : memref<8320xf32, #tpu.memory_space<vmem>>, vector<16xf32>,
      %get3A_1450 = vector.shape_cast %get3A_1449 : vector<16xf32> to vector<16xf32>
      %get3A_1451 = arith.constant 16 : index
      %get3A_1452 = tpu.vector_load %arg7[%get3A_1451] {strides = array<i32>} : memref<128xf32, #tpu.memory_space<vmem>>, vector<16xf32>,
      %get3A_1453 = vector.shape_cast %get3A_1452 : vector<16xf32> to vector<16xf32>
      %add3A_1454 = arith.addf %get3A_1450, %get3A_1453 : vector<16xf32>
      %swap3A_1455 = arith.constant 400 : index
      %swap3A_1456 = tpu.vector_load %arg9[%swap3A_1455] {strides = array<i32>} : memref<640xf32, #tpu.memory_space<vmem>>, vector<16xf32>,
      %swap3A_1457 = vector.shape_cast %swap3A_1456 : vector<16xf32> to vector<16xf32>
      %swap3A_1458 = vector.shape_cast %add3A_1454 : vector<16xf32> to vector<16xf32>
      tpu.vector_store %arg9[%swap3A_1455], %swap3A_1458 {strides = array<i32>} : memref<640xf32, #tpu.memory_space<vmem>>, vector<16xf32>,
      %add3A_1459 = arith.constant 32 : i32
      %add3A_1460 = arith.addi %mul3A_1432, %add3A_1459 : i32
      %get3A_1461 = arith.index_cast %add3A_1460 : i32 to index
      %get3A_1462 = tpu.vector_load %arg8[%get3A_1461] {strides = array<i32>} : memref<8320xf32, #tpu.memory_space<vmem>>, vector<16xf32>,
      %get3A_1463 = vector.shape_cast %get3A_1462 : vector<16xf32> to vector<16xf32>
      %get3A_1464 = arith.constant 32 : index
      %get3A_1465 = tpu.vector_load %arg7[%get3A_1464] {strides = array<i32>} : memref<128xf32, #tpu.memory_space<vmem>>, vector<16xf32>,
      %get3A_1466 = vector.shape_cast %get3A_1465 : vector<16xf32> to vector<16xf32>
      %add3A_1467 = arith.addf %get3A_1463, %get3A_1466 : vector<16xf32>
      %swap3A_1468 = arith.constant 416 : index
      %swap3A_1469 = tpu.vector_load %arg9[%swap3A_1468] {strides = array<i32>} : memref<640xf32, #tpu.memory_space<vmem>>, vector<16xf32>,
      %swap3A_1470 = vector.shape_cast %swap3A_1469 : vector<16xf32> to vector<16xf32>
      %swap3A_1471 = vector.shape_cast %add3A_1467 : vector<16xf32> to vector<16xf32>
      tpu.vector_store %arg9[%swap3A_1468], %swap3A_1471 {strides = array<i32>} : memref<640xf32, #tpu.memory_space<vmem>>, vector<16xf32>,
      %add3A_1472 = arith.constant 48 : i32
      %add3A_1473 = arith.addi %mul3A_1432, %add3A_1472 : i32
      %get3A_1474 = arith.index_cast %add3A_1473 : i32 to index
      %get3A_1475 = tpu.vector_load %arg8[%get3A_1474] {strides = array<i32>} : memref<8320xf32, #tpu.memory_space<vmem>>, vector<16xf32>,
      %get3A_1476 = vector.shape_cast %get3A_1475 : vector<16xf32> to vector<16xf32>
      %get3A_1477 = arith.constant 48 : index
      %get3A_1478 = tpu.vector_load %arg7[%get3A_1477] {strides = array<i32>} : memref<128xf32, #tpu.memory_space<vmem>>, vector<16xf32>,
      %get3A_1479 = vector.shape_cast %get3A_1478 : vector<16xf32> to vector<16xf32>
      %add3A_1480 = arith.addf %get3A_1476, %get3A_1479 : vector<16xf32>
      %swap3A_1481 = arith.constant 432 : index
      %swap3A_1482 = tpu.vector_load %arg9[%swap3A_1481] {strides = array<i32>} : memref<640xf32, #tpu.memory_space<vmem>>, vector<16xf32>,
      %swap3A_1483 = vector.shape_cast %swap3A_1482 : vector<16xf32> to vector<16xf32>
      %swap3A_1484 = vector.shape_cast %add3A_1480 : vector<16xf32> to vector<16xf32>
      tpu.vector_store %arg9[%swap3A_1481], %swap3A_1484 {strides = array<i32>} : memref<640xf32, #tpu.memory_space<vmem>>, vector<16xf32>,
      %add3A_1485 = arith.constant 64 : i32
      %add3A_1486 = arith.addi %mul3A_1432, %add3A_1485 : i32
      %get3A_1487 = arith.index_cast %add3A_1486 : i32 to index
      %get3A_1488 = tpu.vector_load %arg8[%get3A_1487] {strides = array<i32>} : memref<8320xf32, #tpu.memory_space<vmem>>, vector<16xf32>,
      %get3A_1489 = vector.shape_cast %get3A_1488 : vector<16xf32> to vector<16xf32>
      %get3A_1490 = arith.constant 64 : index
      %get3A_1491 = tpu.vector_load %arg7[%get3A_1490] {strides = array<i32>} : memref<128xf32, #tpu.memory_space<vmem>>, vector<16xf32>,
      %get3A_1492 = vector.shape_cast %get3A_1491 : vector<16xf32> to vector<16xf32>
      %add3A_1493 = arith.addf %get3A_1489, %get3A_1492 : vector<16xf32>
      %swap3A_1494 = arith.constant 448 : index
      %swap3A_1495 = tpu.vector_load %arg9[%swap3A_1494] {strides = array<i32>} : memref<640xf32, #tpu.memory_space<vmem>>, vector<16xf32>,
      %swap3A_1496 = vector.shape_cast %swap3A_1495 : vector<16xf32> to vector<16xf32>
      %swap3A_1497 = vector.shape_cast %add3A_1493 : vector<16xf32> to vector<16xf32>
      tpu.vector_store %arg9[%swap3A_1494], %swap3A_1497 {strides = array<i32>} : memref<640xf32, #tpu.memory_space<vmem>>, vector<16xf32>,
      %add3A_1498 = arith.constant 80 : i32
      %add3A_1499 = arith.addi %mul3A_1432, %add3A_1498 : i32
      %get3A_1500 = arith.index_cast %add3A_1499 : i32 to index
      %get3A_1501 = tpu.vector_load %arg8[%get3A_1500] {strides = array<i32>} : memref<8320xf32, #tpu.memory_space<vmem>>, vector<16xf32>,
      %get3A_1502 = vector.shape_cast %get3A_1501 : vector<16xf32> to vector<16xf32>
      %get3A_1503 = arith.constant 80 : index
      %get3A_1504 = tpu.vector_load %arg7[%get3A_1503] {strides = array<i32>} : memref<128xf32, #tpu.memory_space<vmem>>, vector<16xf32>,
      %get3A_1505 = vector.shape_cast %get3A_1504 : vector<16xf32> to vector<16xf32>
      %add3A_1506 = arith.addf %get3A_1502, %get3A_1505 : vector<16xf32>
      %swap3A_1507 = arith.constant 464 : index
      %swap3A_1508 = tpu.vector_load %arg9[%swap3A_1507] {strides = array<i32>} : memref<640xf32, #tpu.memory_space<vmem>>, vector<16xf32>,
      %swap3A_1509 = vector.shape_cast %swap3A_1508 : vector<16xf32> to vector<16xf32>
      %swap3A_1510 = vector.shape_cast %add3A_1506 : vector<16xf32> to vector<16xf32>
      tpu.vector_store %arg9[%swap3A_1507], %swap3A_1510 {strides = array<i32>} : memref<640xf32, #tpu.memory_space<vmem>>, vector<16xf32>,
      %add3A_1511 = arith.constant 96 : i32
      %add3A_1512 = arith.addi %mul3A_1432, %add3A_1511 : i32
      %get3A_1513 = arith.index_cast %add3A_1512 : i32 to index
      %get3A_1514 = tpu.vector_load %arg8[%get3A_1513] {strides = array<i32>} : memref<8320xf32, #tpu.memory_space<vmem>>, vector<16xf32>,
      %get3A_1515 = vector.shape_cast %get3A_1514 : vector<16xf32> to vector<16xf32>
      %get3A_1516 = arith.constant 96 : index
      %get3A_1517 = tpu.vector_load %arg7[%get3A_1516] {strides = array<i32>} : memref<128xf32, #tpu.memory_space<vmem>>, vector<16xf32>,
      %get3A_1518 = vector.shape_cast %get3A_1517 : vector<16xf32> to vector<16xf32>
      %add3A_1519 = arith.addf %get3A_1515, %get3A_1518 : vector<16xf32>
      %swap3A_1520 = arith.constant 480 : index
      %swap3A_1521 = tpu.vector_load %arg9[%swap3A_1520] {strides = array<i32>} : memref<640xf32, #tpu.memory_space<vmem>>, vector<16xf32>,
      %swap3A_1522 = vector.shape_cast %swap3A_1521 : vector<16xf32> to vector<16xf32>
      %swap3A_1523 = vector.shape_cast %add3A_1519 : vector<16xf32> to vector<16xf32>
      tpu.vector_store %arg9[%swap3A_1520], %swap3A_1523 {strides = array<i32>} : memref<640xf32, #tpu.memory_space<vmem>>, vector<16xf32>,
      %add3A_1524 = arith.constant 112 : i32
      %add3A_1525 = arith.addi %mul3A_1432, %add3A_1524 : i32
      %get3A_1526 = arith.index_cast %add3A_1525 : i32 to index
      %get3A_1527 = tpu.vector_load %arg8[%get3A_1526] {strides = array<i32>} : memref<8320xf32, #tpu.memory_space<vmem>>, vector<16xf32>,
      %get3A_1528 = vector.shape_cast %get3A_1527 : vector<16xf32> to vector<16xf32>
      %get3A_1529 = arith.constant 112 : index
      %get3A_1530 = tpu.vector_load %arg7[%get3A_1529] {strides = array<i32>} : memref<128xf32, #tpu.memory_space<vmem>>, vector<16xf32>,
      %get3A_1531 = vector.shape_cast %get3A_1530 : vector<16xf32> to vector<16xf32>
      %add3A_1532 = arith.addf %get3A_1528, %get3A_1531 : vector<16xf32>
      %swap3A_1533 = arith.constant 496 : index
      %swap3A_1534 = tpu.vector_load %arg9[%swap3A_1533] {strides = array<i32>} : memref<640xf32, #tpu.memory_space<vmem>>, vector<16xf32>,
      %swap3A_1535 = vector.shape_cast %swap3A_1534 : vector<16xf32> to vector<16xf32>
      %swap3A_1536 = vector.shape_cast %add3A_1532 : vector<16xf32> to vector<16xf32>
      tpu.vector_store %arg9[%swap3A_1533], %swap3A_1536 {strides = array<i32>} : memref<640xf32, #tpu.memory_space<vmem>>, vector<16xf32>,
      %add3A_1537 = arith.constant 3 : i32
      %add3A_1538 = arith.addi %mul3A_103, %add3A_1537 : i32
      %mul3A_1539 = arith.constant 128 : i32
      %mul3A_1540 = arith.muli %add3A_1538, %mul3A_1539 : i32
      %dma_start3A_1541 = arith.constant 384 : i32
      %dma_start3A_1542 = tpu.memref_slice %arg9[%dma_start3A_1541] : memref<640xf32, #tpu.memory_space<vmem>> -> memref<128xf32, #tpu.memory_space<vmem>>
      %dma_start3A_1543 = tpu.memref_slice %arg5[%mul3A_1540] : memref<8320xf32, #tpu.memory_space<hbm>> -> memref<128xf32, #tpu.memory_space<hbm>>
      %dma_start3A_1544 = tpu.memref_slice %arg5[%mul3A_1540] : memref<8320xf32, #tpu.memory_space<hbm>> -> memref<128xf32, #tpu.memory_space<hbm>>
      %dma_start3A_1545 = arith.constant 384 : i32
      %dma_start3A_1546 = tpu.memref_slice %arg9[%dma_start3A_1545] : memref<640xf32, #tpu.memory_space<vmem>> -> memref<128xf32, #tpu.memory_space<vmem>>
      tpu.enqueue_dma source(%dma_start3A_1546 : memref<128xf32, #tpu.memory_space<vmem>>) target(%dma_start3A_1544 : memref<128xf32, #tpu.memory_space<hbm>>) target_semaphore(%arg12 : memref<!tpu.dma_semaphore, #tpu.memory_space<semaphore_mem>>)
      %mul3A_1547 = arith.constant 128 : i32
      %mul3A_1548 = arith.muli %squeeze3A_1083, %mul3A_1547 : i32
      %add3A_1549 = arith.constant 0 : i32
      %add3A_1550 = arith.addi %mul3A_1548, %add3A_1549 : i32
      %get3A_1551 = arith.index_cast %add3A_1550 : i32 to index
      %get3A_1552 = tpu.vector_load %arg8[%get3A_1551] {strides = array<i32>} : memref<8320xf32, #tpu.memory_space<vmem>>, vector<16xf32>,
      %get3A_1553 = vector.shape_cast %get3A_1552 : vector<16xf32> to vector<16xf32>
      %get3A_1554 = arith.constant 0 : index
      %get3A_1555 = tpu.vector_load %arg7[%get3A_1554] {strides = array<i32>} : memref<128xf32, #tpu.memory_space<vmem>>, vector<16xf32>,
      %get3A_1556 = vector.shape_cast %get3A_1555 : vector<16xf32> to vector<16xf32>
      %add3A_1557 = arith.addf %get3A_1553, %get3A_1556 : vector<16xf32>
      %swap3A_1558 = arith.constant 512 : index
      %swap3A_1559 = tpu.vector_load %arg9[%swap3A_1558] {strides = array<i32>} : memref<640xf32, #tpu.memory_space<vmem>>, vector<16xf32>,
      %swap3A_1560 = vector.shape_cast %swap3A_1559 : vector<16xf32> to vector<16xf32>
      %swap3A_1561 = vector.shape_cast %add3A_1557 : vector<16xf32> to vector<16xf32>
      tpu.vector_store %arg9[%swap3A_1558], %swap3A_1561 {strides = array<i32>} : memref<640xf32, #tpu.memory_space<vmem>>, vector<16xf32>,
      %add3A_1562 = arith.constant 16 : i32
      %add3A_1563 = arith.addi %mul3A_1548, %add3A_1562 : i32
      %get3A_1564 = arith.index_cast %add3A_1563 : i32 to index
      %get3A_1565 = tpu.vector_load %arg8[%get3A_1564] {strides = array<i32>} : memref<8320xf32, #tpu.memory_space<vmem>>, vector<16xf32>,
      %get3A_1566 = vector.shape_cast %get3A_1565 : vector<16xf32> to vector<16xf32>
      %get3A_1567 = arith.constant 16 : index
      %get3A_1568 = tpu.vector_load %arg7[%get3A_1567] {strides = array<i32>} : memref<128xf32, #tpu.memory_space<vmem>>, vector<16xf32>,
      %get3A_1569 = vector.shape_cast %get3A_1568 : vector<16xf32> to vector<16xf32>
      %add3A_1570 = arith.addf %get3A_1566, %get3A_1569 : vector<16xf32>
      %swap3A_1571 = arith.constant 528 : index
      %swap3A_1572 = tpu.vector_load %arg9[%swap3A_1571] {strides = array<i32>} : memref<640xf32, #tpu.memory_space<vmem>>, vector<16xf32>,
      %swap3A_1573 = vector.shape_cast %swap3A_1572 : vector<16xf32> to vector<16xf32>
      %swap3A_1574 = vector.shape_cast %add3A_1570 : vector<16xf32> to vector<16xf32>
      tpu.vector_store %arg9[%swap3A_1571], %swap3A_1574 {strides = array<i32>} : memref<640xf32, #tpu.memory_space<vmem>>, vector<16xf32>,
      %add3A_1575 = arith.constant 32 : i32
      %add3A_1576 = arith.addi %mul3A_1548, %add3A_1575 : i32
      %get3A_1577 = arith.index_cast %add3A_1576 : i32 to index
      %get3A_1578 = tpu.vector_load %arg8[%get3A_1577] {strides = array<i32>} : memref<8320xf32, #tpu.memory_space<vmem>>, vector<16xf32>,
      %get3A_1579 = vector.shape_cast %get3A_1578 : vector<16xf32> to vector<16xf32>
      %get3A_1580 = arith.constant 32 : index
      %get3A_1581 = tpu.vector_load %arg7[%get3A_1580] {strides = array<i32>} : memref<128xf32, #tpu.memory_space<vmem>>, vector<16xf32>,
      %get3A_1582 = vector.shape_cast %get3A_1581 : vector<16xf32> to vector<16xf32>
      %add3A_1583 = arith.addf %get3A_1579, %get3A_1582 : vector<16xf32>
      %swap3A_1584 = arith.constant 544 : index
      %swap3A_1585 = tpu.vector_load %arg9[%swap3A_1584] {strides = array<i32>} : memref<640xf32, #tpu.memory_space<vmem>>, vector<16xf32>,
      %swap3A_1586 = vector.shape_cast %swap3A_1585 : vector<16xf32> to vector<16xf32>
      %swap3A_1587 = vector.shape_cast %add3A_1583 : vector<16xf32> to vector<16xf32>
      tpu.vector_store %arg9[%swap3A_1584], %swap3A_1587 {strides = array<i32>} : memref<640xf32, #tpu.memory_space<vmem>>, vector<16xf32>,
      %add3A_1588 = arith.constant 48 : i32
      %add3A_1589 = arith.addi %mul3A_1548, %add3A_1588 : i32
      %get3A_1590 = arith.index_cast %add3A_1589 : i32 to index
      %get3A_1591 = tpu.vector_load %arg8[%get3A_1590] {strides = array<i32>} : memref<8320xf32, #tpu.memory_space<vmem>>, vector<16xf32>,
      %get3A_1592 = vector.shape_cast %get3A_1591 : vector<16xf32> to vector<16xf32>
      %get3A_1593 = arith.constant 48 : index
      %get3A_1594 = tpu.vector_load %arg7[%get3A_1593] {strides = array<i32>} : memref<128xf32, #tpu.memory_space<vmem>>, vector<16xf32>,
      %get3A_1595 = vector.shape_cast %get3A_1594 : vector<16xf32> to vector<16xf32>
      %add3A_1596 = arith.addf %get3A_1592, %get3A_1595 : vector<16xf32>
      %swap3A_1597 = arith.constant 560 : index
      %swap3A_1598 = tpu.vector_load %arg9[%swap3A_1597] {strides = array<i32>} : memref<640xf32, #tpu.memory_space<vmem>>, vector<16xf32>,
      %swap3A_1599 = vector.shape_cast %swap3A_1598 : vector<16xf32> to vector<16xf32>
      %swap3A_1600 = vector.shape_cast %add3A_1596 : vector<16xf32> to vector<16xf32>
      tpu.vector_store %arg9[%swap3A_1597], %swap3A_1600 {strides = array<i32>} : memref<640xf32, #tpu.memory_space<vmem>>, vector<16xf32>,
      %add3A_1601 = arith.constant 64 : i32
      %add3A_1602 = arith.addi %mul3A_1548, %add3A_1601 : i32
      %get3A_1603 = arith.index_cast %add3A_1602 : i32 to index
      %get3A_1604 = tpu.vector_load %arg8[%get3A_1603] {strides = array<i32>} : memref<8320xf32, #tpu.memory_space<vmem>>, vector<16xf32>,
      %get3A_1605 = vector.shape_cast %get3A_1604 : vector<16xf32> to vector<16xf32>
      %get3A_1606 = arith.constant 64 : index
      %get3A_1607 = tpu.vector_load %arg7[%get3A_1606] {strides = array<i32>} : memref<128xf32, #tpu.memory_space<vmem>>, vector<16xf32>,
      %get3A_1608 = vector.shape_cast %get3A_1607 : vector<16xf32> to vector<16xf32>
      %add3A_1609 = arith.addf %get3A_1605, %get3A_1608 : vector<16xf32>
      %swap3A_1610 = arith.constant 576 : index
      %swap3A_1611 = tpu.vector_load %arg9[%swap3A_1610] {strides = array<i32>} : memref<640xf32, #tpu.memory_space<vmem>>, vector<16xf32>,
      %swap3A_1612 = vector.shape_cast %swap3A_1611 : vector<16xf32> to vector<16xf32>
      %swap3A_1613 = vector.shape_cast %add3A_1609 : vector<16xf32> to vector<16xf32>
      tpu.vector_store %arg9[%swap3A_1610], %swap3A_1613 {strides = array<i32>} : memref<640xf32, #tpu.memory_space<vmem>>, vector<16xf32>,
      %add3A_1614 = arith.constant 80 : i32
      %add3A_1615 = arith.addi %mul3A_1548, %add3A_1614 : i32
      %get3A_1616 = arith.index_cast %add3A_1615 : i32 to index
      %get3A_1617 = tpu.vector_load %arg8[%get3A_1616] {strides = array<i32>} : memref<8320xf32, #tpu.memory_space<vmem>>, vector<16xf32>,
      %get3A_1618 = vector.shape_cast %get3A_1617 : vector<16xf32> to vector<16xf32>
      %get3A_1619 = arith.constant 80 : index
      %get3A_1620 = tpu.vector_load %arg7[%get3A_1619] {strides = array<i32>} : memref<128xf32, #tpu.memory_space<vmem>>, vector<16xf32>,
      %get3A_1621 = vector.shape_cast %get3A_1620 : vector<16xf32> to vector<16xf32>
      %add3A_1622 = arith.addf %get3A_1618, %get3A_1621 : vector<16xf32>
      %swap3A_1623 = arith.constant 592 : index
      %swap3A_1624 = tpu.vector_load %arg9[%swap3A_1623] {strides = array<i32>} : memref<640xf32, #tpu.memory_space<vmem>>, vector<16xf32>,
      %swap3A_1625 = vector.shape_cast %swap3A_1624 : vector<16xf32> to vector<16xf32>
      %swap3A_1626 = vector.shape_cast %add3A_1622 : vector<16xf32> to vector<16xf32>
      tpu.vector_store %arg9[%swap3A_1623], %swap3A_1626 {strides = array<i32>} : memref<640xf32, #tpu.memory_space<vmem>>, vector<16xf32>,
      %add3A_1627 = arith.constant 96 : i32
      %add3A_1628 = arith.addi %mul3A_1548, %add3A_1627 : i32
      %get3A_1629 = arith.index_cast %add3A_1628 : i32 to index
      %get3A_1630 = tpu.vector_load %arg8[%get3A_1629] {strides = array<i32>} : memref<8320xf32, #tpu.memory_space<vmem>>, vector<16xf32>,
      %get3A_1631 = vector.shape_cast %get3A_1630 : vector<16xf32> to vector<16xf32>
      %get3A_1632 = arith.constant 96 : index
      %get3A_1633 = tpu.vector_load %arg7[%get3A_1632] {strides = array<i32>} : memref<128xf32, #tpu.memory_space<vmem>>, vector<16xf32>,
      %get3A_1634 = vector.shape_cast %get3A_1633 : vector<16xf32> to vector<16xf32>
      %add3A_1635 = arith.addf %get3A_1631, %get3A_1634 : vector<16xf32>
      %swap3A_1636 = arith.constant 608 : index
      %swap3A_1637 = tpu.vector_load %arg9[%swap3A_1636] {strides = array<i32>} : memref<640xf32, #tpu.memory_space<vmem>>, vector<16xf32>,
      %swap3A_1638 = vector.shape_cast %swap3A_1637 : vector<16xf32> to vector<16xf32>
      %swap3A_1639 = vector.shape_cast %add3A_1635 : vector<16xf32> to vector<16xf32>
      tpu.vector_store %arg9[%swap3A_1636], %swap3A_1639 {strides = array<i32>} : memref<640xf32, #tpu.memory_space<vmem>>, vector<16xf32>,
      %add3A_1640 = arith.constant 112 : i32
      %add3A_1641 = arith.addi %mul3A_1548, %add3A_1640 : i32
      %get3A_1642 = arith.index_cast %add3A_1641 : i32 to index
      %get3A_1643 = tpu.vector_load %arg8[%get3A_1642] {strides = array<i32>} : memref<8320xf32, #tpu.memory_space<vmem>>, vector<16xf32>,
      %get3A_1644 = vector.shape_cast %get3A_1643 : vector<16xf32> to vector<16xf32>
      %get3A_1645 = arith.constant 112 : index
      %get3A_1646 = tpu.vector_load %arg7[%get3A_1645] {strides = array<i32>} : memref<128xf32, #tpu.memory_space<vmem>>, vector<16xf32>,
      %get3A_1647 = vector.shape_cast %get3A_1646 : vector<16xf32> to vector<16xf32>
      %add3A_1648 = arith.addf %get3A_1644, %get3A_1647 : vector<16xf32>
      %swap3A_1649 = arith.constant 624 : index
      %swap3A_1650 = tpu.vector_load %arg9[%swap3A_1649] {strides = array<i32>} : memref<640xf32, #tpu.memory_space<vmem>>, vector<16xf32>,
      %swap3A_1651 = vector.shape_cast %swap3A_1650 : vector<16xf32> to vector<16xf32>
      %swap3A_1652 = vector.shape_cast %add3A_1648 : vector<16xf32> to vector<16xf32>
      tpu.vector_store %arg9[%swap3A_1649], %swap3A_1652 {strides = array<i32>} : memref<640xf32, #tpu.memory_space<vmem>>, vector<16xf32>,
      %add3A_1653 = arith.constant 4 : i32
      %add3A_1654 = arith.addi %mul3A_103, %add3A_1653 : i32
      %mul3A_1655 = arith.constant 128 : i32
      %mul3A_1656 = arith.muli %add3A_1654, %mul3A_1655 : i32
      %dma_start3A_1657 = arith.constant 512 : i32
      %dma_start3A_1658 = tpu.memref_slice %arg9[%dma_start3A_1657] : memref<640xf32, #tpu.memory_space<vmem>> -> memref<128xf32, #tpu.memory_space<vmem>>
      %dma_start3A_1659 = tpu.memref_slice %arg5[%mul3A_1656] : memref<8320xf32, #tpu.memory_space<hbm>> -> memref<128xf32, #tpu.memory_space<hbm>>
      %dma_start3A_1660 = tpu.memref_slice %arg5[%mul3A_1656] : memref<8320xf32, #tpu.memory_space<hbm>> -> memref<128xf32, #tpu.memory_space<hbm>>
      %dma_start3A_1661 = arith.constant 512 : i32
      %dma_start3A_1662 = tpu.memref_slice %arg9[%dma_start3A_1661] : memref<640xf32, #tpu.memory_space<vmem>> -> memref<128xf32, #tpu.memory_space<vmem>>
      tpu.enqueue_dma source(%dma_start3A_1662 : memref<128xf32, #tpu.memory_space<vmem>>) target(%dma_start3A_1660 : memref<128xf32, #tpu.memory_space<hbm>>) target_semaphore(%arg12 : memref<!tpu.dma_semaphore, #tpu.memory_space<semaphore_mem>>)
      %dma_wait3A_1663 = arith.constant 0 : i32
      %dma_wait3A_1664 = tpu.memref_slice %arg9[%dma_wait3A_1663] : memref<640xf32, #tpu.memory_space<vmem>> -> memref<128xf32, #tpu.memory_space<vmem>>
      %dma_wait3A_1665 = tpu.memref_slice %arg5[%mul3A_1192] : memref<8320xf32, #tpu.memory_space<hbm>> -> memref<128xf32, #tpu.memory_space<hbm>>
      %dma_wait3A_1666 = tpu.memref_slice %arg5[%mul3A_1192] : memref<8320xf32, #tpu.memory_space<hbm>> -> memref<128xf32, #tpu.memory_space<hbm>>
      %dma_wait3A_1667 = arith.constant 0 : i32
      %dma_wait3A_1668 = tpu.memref_slice %arg9[%dma_wait3A_1667] : memref<640xf32, #tpu.memory_space<vmem>> -> memref<128xf32, #tpu.memory_space<vmem>>
      tpu.wait_dma2 semaphore(%arg12 : memref<!tpu.dma_semaphore, #tpu.memory_space<semaphore_mem>>) src(%dma_wait3A_1668 : memref<128xf32, #tpu.memory_space<vmem>>) dst(%dma_wait3A_1666 : memref<128xf32, #tpu.memory_space<hbm>>)
      %dma_wait3A_1669 = arith.constant 128 : i32
      %dma_wait3A_1670 = tpu.memref_slice %arg9[%dma_wait3A_1669] : memref<640xf32, #tpu.memory_space<vmem>> -> memref<128xf32, #tpu.memory_space<vmem>>
      %dma_wait3A_1671 = tpu.memref_slice %arg5[%mul3A_1308] : memref<8320xf32, #tpu.memory_space<hbm>> -> memref<128xf32, #tpu.memory_space<hbm>>
      %dma_wait3A_1672 = tpu.memref_slice %arg5[%mul3A_1308] : memref<8320xf32, #tpu.memory_space<hbm>> -> memref<128xf32, #tpu.memory_space<hbm>>
      %dma_wait3A_1673 = arith.constant 128 : i32
      %dma_wait3A_1674 = tpu.memref_slice %arg9[%dma_wait3A_1673] : memref<640xf32, #tpu.memory_space<vmem>> -> memref<128xf32, #tpu.memory_space<vmem>>
      tpu.wait_dma2 semaphore(%arg12 : memref<!tpu.dma_semaphore, #tpu.memory_space<semaphore_mem>>) src(%dma_wait3A_1674 : memref<128xf32, #tpu.memory_space<vmem>>) dst(%dma_wait3A_1672 : memref<128xf32, #tpu.memory_space<hbm>>)
      %dma_wait3A_1675 = arith.constant 256 : i32
      %dma_wait3A_1676 = tpu.memref_slice %arg9[%dma_wait3A_1675] : memref<640xf32, #tpu.memory_space<vmem>> -> memref<128xf32, #tpu.memory_space<vmem>>
      %dma_wait3A_1677 = tpu.memref_slice %arg5[%mul3A_1424] : memref<8320xf32, #tpu.memory_space<hbm>> -> memref<128xf32, #tpu.memory_space<hbm>>
      %dma_wait3A_1678 = tpu.memref_slice %arg5[%mul3A_1424] : memref<8320xf32, #tpu.memory_space<hbm>> -> memref<128xf32, #tpu.memory_space<hbm>>
      %dma_wait3A_1679 = arith.constant 256 : i32
      %dma_wait3A_1680 = tpu.memref_slice %arg9[%dma_wait3A_1679] : memref<640xf32, #tpu.memory_space<vmem>> -> memref<128xf32, #tpu.memory_space<vmem>>
      tpu.wait_dma2 semaphore(%arg12 : memref<!tpu.dma_semaphore, #tpu.memory_space<semaphore_mem>>) src(%dma_wait3A_1680 : memref<128xf32, #tpu.memory_space<vmem>>) dst(%dma_wait3A_1678 : memref<128xf32, #tpu.memory_space<hbm>>)
      %dma_wait3A_1681 = arith.constant 384 : i32
      %dma_wait3A_1682 = tpu.memref_slice %arg9[%dma_wait3A_1681] : memref<640xf32, #tpu.memory_space<vmem>> -> memref<128xf32, #tpu.memory_space<vmem>>
      %dma_wait3A_1683 = tpu.memref_slice %arg5[%mul3A_1540] : memref<8320xf32, #tpu.memory_space<hbm>> -> memref<128xf32, #tpu.memory_space<hbm>>
      %dma_wait3A_1684 = tpu.memref_slice %arg5[%mul3A_1540] : memref<8320xf32, #tpu.memory_space<hbm>> -> memref<128xf32, #tpu.memory_space<hbm>>
      %dma_wait3A_1685 = arith.constant 384 : i32
      %dma_wait3A_1686 = tpu.memref_slice %arg9[%dma_wait3A_1685] : memref<640xf32, #tpu.memory_space<vmem>> -> memref<128xf32, #tpu.memory_space<vmem>>
      tpu.wait_dma2 semaphore(%arg12 : memref<!tpu.dma_semaphore, #tpu.memory_space<semaphore_mem>>) src(%dma_wait3A_1686 : memref<128xf32, #tpu.memory_space<vmem>>) dst(%dma_wait3A_1684 : memref<128xf32, #tpu.memory_space<hbm>>)
      %dma_wait3A_1687 = arith.constant 512 : i32
      %dma_wait3A_1688 = tpu.memref_slice %arg9[%dma_wait3A_1687] : memref<640xf32, #tpu.memory_space<vmem>> -> memref<128xf32, #tpu.memory_space<vmem>>
      %dma_wait3A_1689 = tpu.memref_slice %arg5[%mul3A_1656] : memref<8320xf32, #tpu.memory_space<hbm>> -> memref<128xf32, #tpu.memory_space<hbm>>
      %dma_wait3A_1690 = tpu.memref_slice %arg5[%mul3A_1656] : memref<8320xf32, #tpu.memory_space<hbm>> -> memref<128xf32, #tpu.memory_space<hbm>>
      %dma_wait3A_1691 = arith.constant 512 : i32
      %dma_wait3A_1692 = tpu.memref_slice %arg9[%dma_wait3A_1691] : memref<640xf32, #tpu.memory_space<vmem>> -> memref<128xf32, #tpu.memory_space<vmem>>
      tpu.wait_dma2 semaphore(%arg12 : memref<!tpu.dma_semaphore, #tpu.memory_space<semaphore_mem>>) src(%dma_wait3A_1692 : memref<128xf32, #tpu.memory_space<vmem>>) dst(%dma_wait3A_1690 : memref<128xf32, #tpu.memory_space<hbm>>)
    } else {
    }
    return
  }
}

</mosaic_0001>

<sc_bundles>
// kernel: kernel.3.cloned.1.call-start
scs
__scs_entry_jumppad:
0x0: {  	(pc) =	sbr.rel $0x88, $3  }
0x1: {  	(tag) =	ssettag $0x0;
	lr =	simm.s32 $0x1  }
0x2: {  	[smem:$0x3F9E] =	sst lr;
	_ =	strace $0xD0000000  }
0x3: {  	_ = 	snop  }
0x4: {  	_ = 	snop  }
0x5: {  	_ = 	snop  }
0x6: {  	_ = 	snop  }
0x7: {  	_ = 	snop  }
__scs_overlays_trampoline_lowered:
0x8: {  	[smem:$0x3FAD] =	sst s0  }
0x9: {  	[smem:$0x3FAE] =	sst s1  }
0xa: {  	[smem:$0x3FAF] =	sst s2  }
0xb: {  	[smem:$0x3FB0] =	sst s3  }
0xc: {  	[smem:$0x3FB1] =	sst s4  }
0xd: {  	[smem:$0x3FB2] =	sst s5  }
0xe: {  	[smem:$0x3FB3] =	sst s6  }
0xf: {  	[smem:$0x3FB4] =	sst s7  }
0x10: {  	[smem:$0x3FB5] =	sst s8  }
0x11: {  	[smem:$0x3FB6] =	sst s9;
	s0 =	simm.s32 @!p0 $0x0  }
0x12: {  	s1 =	sld [smem:$0x3F9C];
	s0 =	simm.s32 @p0 $0x1  }
0x13: {  	[smem:$0x3FB7] =	sst s0;
	s0 =	simm.s32 @!p1 $0x0  }
0x14: {  	s2 =	sld [smem:$0x3F9B];
	s0 =	simm.s32 @p1 $0x1  }
0x15: {  	[smem:$0x3FB8] =	sst s0;
	s0 =	simm.s32 @!p2 $0x0  }
0x16: {  	s3 =	sld [smem:$0x3FDB];
	s0 =	simm.s32 @p2 $0x1  }
0x17: {  	s4 =	simm.s32 $0x1BF5;
	[smem:$0x3FBA] =	sst s0  }
0x18: {  	s0 =	sld [smem:$0x3F9D];
	_ =	swait.ge [sflag:s4], $0x0  }
0x19: {  	s7 =	sld [smem:$0x3F9E]  }
0x1a: {  	s8 =	sadd.s32 $0xFFFFE003, lr  }
0x1b: {  	s9 =	sadd.s32 $0xFFFFFEF7, lr;
	s5 =	simm.s32 $0xFFFFFFFF;
	p2 =	slt.u32 s8, $0xFFFFF086  }
0x1c: {  	p1 =	slt.u32 s9, $0xF7A;
	s5 =	simm.s32 @!p2 $0x0  }
0x1d: {  	s5 =	simm.s32 @p1 $0x1;
	p0 =	seq.s32 s7, s2  }
0x1e: {  	s7 =	smul.u32 @!p0 $0xF7A, s2;
	p2 =	seq.s32 @!p0 s5, $0x0  }
0x1f: {  	s9 =	smul.u32 $0xF7A, s1;
	s8 =	simm.s32 @!p0 $0x1BF5;
	p2 =	por !p2, p0  }
0x20: {  	[sflag:s8] =	ssyncset.s32 @!p0 $0xFFFFF086;
	s6 =	sadd.s32 @!p0 s3, s7;
	s7 =	simm.s32 @!p0 $0x108  }
0x21: {  	s3 =	sadd.s32 s3, s9;
	s6 =	sadd.s32 @!p0 $0x88, s6;
	s7 =	simm.s32 @p2 $0x1082  }
0x22: {  	[simem:s7], [sflag:s8] =	dma.local @!p0 [hbm:s6], $0xF7A  }
0x23: {  	s9 =	sor.u32 $0xD0000000, s2;
	s6 =	simm.s32 $0x108;
	_ =	swait.ge @!p0 [sflag:s8], $0x0  }
0x24: {  	s3 =	sadd.s32 $0x88, s3;
	s6 =	simm.s32 @!p1 $0x1082;
	[sflag:s4] =	ssyncset.s32 $0xFFFFF086  }
0x25: {  	[simem:s6], [sflag:s4] =	dma.local [hbm:s3], $0xF7A  }
0x26: {  	[smem:$0x3F9E] =	sst s1;
	(tag) =	ssettag s2;
	_ =	strace s9  }
0x27: {  	s1 =	sld [smem:$0x3FAE]  }
0x28: {  	s2 =	sld [smem:$0x3FAF]  }
0x29: {  	s4 =	sld [smem:$0x3FB1]  }
0x2a: {  	p0 =	seq.s32 s5, $0x0;
	s5 =	sld [smem:$0x3FB2]  }
0x2b: {  	s6 =	sld [smem:$0x3FB3]  }
0x2c: {  	s7 =	sld [smem:$0x3FB4]  }
0x2d: {  	s3 =	simm.s32 $0x108;
	s8 =	sld [smem:$0x3FB5]  }
0x2e: {  	s3 =	simm.s32 @!p0 $0x1082;
	s9 =	sld [smem:$0x3FB6]  }
0x2f: {  	lr =	sadd.s32 s0, s3;
	s0 =	sld [smem:$0x3FAD]  }
0x30: {  	s3 =	sld [smem:$0x3FB0]  }
0x31: {  	[smem:$0x3FB9] =	sst s10  }
0x32: {  	s10 =	sld [smem:$0x3FB7];
	_ =	sdelay $0x3  }
0x33: {  	p0 =	seq.s32 s10, $0x1;
	s10 =	sld [smem:$0x3FB9];
	_ =	sdelay $0x3  }
0x34: {  	[smem:$0x3FB9] =	sst s10  }
0x35: {  	s10 =	sld [smem:$0x3FB8];
	_ =	sdelay $0x3  }
0x36: {  	p1 =	seq.s32 s10, $0x1;
	s10 =	sld [smem:$0x3FB9];
	_ =	sdelay $0x3  }
0x37: {  	[smem:$0x3FB9] =	sst s10  }
0x38: {  	s10 =	sld [smem:$0x3FBA]  }
0x39: {  	_ = 	snop;
	(pc) =	sbr.ind lr, $3  }
0x3a: {  	_ = 	snop  }
0x3b: {  	_ = 	snop  }
0x3c: {  	p2 =	seq.s32 s10, $0x1;
	s10 =	sld [smem:$0x3FB9]  }
0x3d: {  	_ =	shalt  }
0x3e: {  	_ =	shalt  }
0x3f: {  	_ =	shalt  }
0x40: {  	_ =	shalt  }
0x41: {  	_ =	shalt  }
0x42: {  	_ =	shalt  }
0x43: {  	_ =	shalt  }
0x44: {  	_ =	shalt  }
0x45: {  	_ =	shalt  }
0x46: {  	_ =	shalt  }
0x47: {  	_ =	shalt  }
0x48: {  	_ =	shalt  }
0x49: {  	_ =	shalt  }
0x4a: {  	_ =	shalt  }
0x4b: {  	_ =	shalt  }
0x4c: {  	_ =	shalt  }
0x4d: {  	_ =	shalt  }
0x4e: {  	_ =	shalt  }
0x4f: {  	_ =	shalt  }
0x50: {  	_ =	shalt  }
0x51: {  	_ =	shalt  }
0x52: {  	_ =	shalt  }
0x53: {  	_ =	shalt  }
0x54: {  	_ =	shalt  }
0x55: {  	_ =	shalt  }
0x56: {  	_ =	shalt  }
0x57: {  	_ =	shalt  }
0x58: {  	_ =	shalt  }
0x59: {  	_ =	shalt  }
0x5a: {  	_ =	shalt  }
0x5b: {  	_ =	shalt  }
0x5c: {  	_ =	shalt  }
0x5d: {  	_ =	shalt  }
0x5e: {  	_ =	shalt  }
0x5f: {  	_ =	shalt  }
0x60: {  	_ =	shalt  }
0x61: {  	_ =	shalt  }
0x62: {  	_ =	shalt  }
0x63: {  	_ =	shalt  }
0x64: {  	_ =	shalt  }
0x65: {  	_ =	shalt  }
0x66: {  	_ =	shalt  }
0x67: {  	_ =	shalt  }
0x68: {  	_ =	shalt  }
0x69: {  	_ =	shalt  }
0x6a: {  	_ =	shalt  }
0x6b: {  	_ =	shalt  }
0x6c: {  	_ =	shalt  }
0x6d: {  	_ =	shalt  }
0x6e: {  	_ =	shalt  }
0x6f: {  	_ =	shalt  }
0x70: {  	_ =	shalt  }
0x71: {  	_ =	shalt  }
0x72: {  	_ =	shalt  }
0x73: {  	_ =	shalt  }
0x74: {  	_ =	shalt  }
0x75: {  	_ =	shalt  }
0x76: {  	_ =	shalt  }
0x77: {  	_ =	shalt  }
0x78: {  	_ =	shalt  }
0x79: {  	_ =	shalt  }
0x7a: {  	_ =	shalt  }
0x7b: {  	_ =	shalt  }
0x7c: {  	_ =	shalt  }
0x7d: {  	_ =	shalt  }
0x7e: {  	_ =	shalt  }
0x7f: {  	_ =	shalt  }
0x80: {  	_ =	shalt  }
0x81: {  	_ =	shalt  }
0x82: {  	_ =	shalt  }
0x83: {  	_ =	shalt  }
0x84: {  	_ =	shalt  }
0x85: {  	_ =	shalt  }
0x86: {  	_ =	shalt  }
0x87: {  	_ =	shalt  }
.Lfunc_end0:
.L_simem_size_0:
called_computation_lowered:
.L_overlay_start_0:
0x88: {  	s0 =	sld [smem:$0x3FD9]  }
0x89: {  	s1 =	sld [smem:$0x3FFE];
	_ =	sdelay $0x3  }
0x8a: {  	s0 =	sadd.s32 s1, s0  }
0x8b: {  	[smem:$0x3FC5] =	sst s0  }
0x8c: {  	_ = 	snop  }
0x8d: {  	s0 =	sld [smem:$0x3FC9]  }
0x8e: {  	s17 =	sld [smem:$0x3FC8]  }
0x8f: {  	s2 =	sld [smem:$0x3FC7]  }
0x90: {  	s3 =	sld [smem:$0x3FD0];
	(tm) =	ssettm $0x1  }
0x91: {  	s4 =	sld [smem:$0x3FFB];
	_ =	sdelay $0x3  }
0x92: {  	_ =	strace s4  }
0x93: {  	s4 =	sld [smem:$0x3FFC];
	_ =	sdelay $0x3  }
0x94: {  	_ =	strace s4  }
0x95: {  	s4 =	sld [smem:$0x3FFD];
	_ =	sdelay $0x3  }
0x96: {  	_ =	strace s4  }
0x97: {  	_ =	strace $0x8FFFFFFF  }
0x98: {  	s18 =	sld [smem:$0x3FDB];
	_ =	sdelay $0x1  }
0x99: {  	s5 =	simm.s32 $_scs_section_size  }
0x9a: {  	s6 =	simm.s32 $_size__tile_overlayer_lowered;
	s7 =	simm.s32 $_tile_overlayer_lowered  }
0x9b: {  	s21 =	simm.s32 $0x1BFF;
	s20 =	sshll.u32 s7, $0x1;
	s4 =	sadd.s32 s5, s18  }
0x9c: {  	s8 =	simm.s32 $0x0;
	s19 =	sshll.u32 s6, $0x1;
	s6 =	sadd.s32 s20, s4  }
0x9d: {  	[timem:s8], [sflag:s21] =	dma.local [hbm:s6], s19  }
0x9e: {  	_ =	swait.ge [sflag:s21], s19  }
0x9f: {  	s5 =	ssub.s32 $0x0, s19;
	[sflag:s21] =	ssyncset.done $0x0  }
0xa0: {  	[sflag:s21] =	ssyncadd.s32 s5;
	_ =	sdelay $0x1  }
0xa1: {  	s22 =	simm.s32 $0x1B8B  }
0xa2: {  	_ =	swait.ge [sflag:s22], $0x1  }
0xa3: {  	[sflag:s22] =	ssyncset.done $0x0  }
0xa4: {  	s23 =	simm.s32 $0x1B8E;
	[sflag:s22] =	ssyncadd.s32 $0xFFFFFFFF  }
0xa5: {  	s24 =	simm.s32 $execute0_lowered;
	[smem:$0x3FD2] =	sst s23  }
0xa6: {  	s5 =	sshll.u32 s24, $0x1;
	_ =	strace $0x80000046;
	[dreg:$0x1] =	wrdreg $0xFFFFFFFF  }
0xa7: {  	s25 =	simm.s32 $_size_execute0_lowered;
	s4 =	sadd.s32 s4, s5;
	[dreg:$0x0] =	wrdreg $0x0  }
0xa8: {  	s5 =	sshll.u32 s25, $0x1;
	[dreg:$0x2] =	wrdreg s4  }
0xa9: {  	[dreg:$0x3] =	wrdreg s5  }
0xaa: {  	[dreg:$0x4] =	wrdreg $0xC0  }
0xab: {  	_ =	task [dreg:s8], $0x5FFFF  }
0xac: {  	[dreg:$0x1] =	wrdreg $0xFFFFFFFF  }
0xad: {  	[dreg:$0x0] =	wrdreg $0x60  }
0xae: {  	[dreg:$0x2] =	wrdreg s0  }
0xaf: {  	[dreg:$0x3] =	wrdreg s17  }
0xb0: {  	[dreg:$0x4] =	wrdreg s2  }
0xb1: {  	[dreg:$0x5] =	wrdreg s3  }
0xb2: {  	[dreg:$0x6] =	wrdreg $0x9  }
0xb3: {  	_ =	task.clear_ibuf [dreg:s8], $0x7FFFF;
	_ =	strace $0x90000046  }
0xb4: {  	s26 =	simm.s32 $0x9;
	_ =	strace $0x80000048  }
0xb5: {  	_ =	swait.ge [sflag:s26], $0x1  }
0xb6: {  	[sflag:s26] =	ssyncadd.s32 $0xFFFFFFFF  }
0xb7: {  	_ =	strace $0x90000048  }
0xb8: {  	_ =	sfence  }
0xb9: {  	s28 =	sld [smem:$0x0];
	_ =	sdelay $0x1  }
0xba: {  	s29 =	srdreg.scid  }
0xbb: {  	s30 =	sshll.u32 s29, $0xD;
	s31 =	sshrl.u32 s29, $0x2  }
0xbc: {  	s1 =	sand.u32 $0x1, s29;
	s2 =	sand.u32 $0x4000, s30;
	s0 =	sadd.s32 s31, s28  }
0xbd: {  	s1 =	sor.u32 s2, s1;
	s0 =	sshll.u32 s0, $0x11  }
0xbe: {  	s0 =	sor.u32 s0, s1  }
0xbf: {  	s0 =	sadd.s32 $0x8F2B, s0  }
0xc0: {  	[sflag:s0] =	ssyncadd.remote.s32 $0x1  }
0xc1: {  	_ =	sfence.sel $0xFFFF  }
0xc2: {  	[dreg:$0x0] =	wrdreg $0xFFFFFFFF;
	(pc) =	sbr.abs _section_cstart, $3  }
0xc3: {  	[dreg:$0x1] =	wrdreg $0xFFFFFFFF  }
0xc4: {  	_ =	task.clear_ibuf [dreg:s8], $0x2FFFF;
	_ =	strace $0x9FFFFFFF  }
0xc5: {  	(tm) =	ssettm $0x7FFFFFFF  }
tec
execute0_lowered:
.L_overlay_start_1:
0x0: {  	(tag) =	ssettag $0x1  }
0x1: {  	s1 =	stileid.u32  }
0x2: {  	s7 =	rddreg [dreg:$0x0];
	p0 =	sgt.u32 s1, $0xC  }
.Ltmp0:
0x3: {  	s6 =	rddreg [dreg:$0x1];
	(pc) =	sbr.rel @p0 .LBB2_2-.Ltmp0, $4  }
0x4: {  	s4 =	rddreg [dreg:$0x2]  }
0x5: {  	s3 =	rddreg [dreg:$0x3];
	s2 =	simm.s32 $0x0  }
0x6: {  	[smem:$0x7FF] =	sst s2  }
0x7: {  	s0 =	rddreg [dreg:$0x4];
	_ =	strace $0x80000047  }
0x8: {  	v0 =	vimm.f32 $1.700000000e+01;
	vm5 =	vcmask $0x300  }
0x9: {  	vm6 =	vcmask $0x704;
	vm8 =	vcmask $0xB08;
	vm4 =	vcmask $0xF0C  }
0xa: {  	vm1 =	vcmask $0x3F04;
	vm2 =	vcmask $0x1310;
	vm3 =	vcmask $0x1714  }
0xb: {  	vm13 =	vcmask $0x1B18;
	v36 =	vimm.f32 $1.000000000e+00;
	v3 =	vimm.f32 $-1.500000000e+01  }
0xc: {  	v4 =	vimm.f32 $-3.100000000e+01;
	v5 =	vimm.f32 $-4.700000000e+01;
	vm7 =	vcmask $0x1F1C  }
0xd: {  	vm14 =	vcmask $0x2320;
	vm15 =	vcmask $0x2724;
	vm9 =	vcmask $0x2B28  }
0xe: {  	vm10 =	vcmask $0x2F2C;
	vm11 =	vcmask $0x3330;
	v53 =	vimm.s32 $0xFEDCBA9  }
0xf: {  	v13 =	vimm.s32 $0x87654321;
	v56 =	vimm.s32 $0x10FEDCBA;
	v15 =	vimm.s32 $0x98765432  }
0x10: {  	v58 =	vimm.s32 $0x3210FEDC;
	v59 =	vimm.s32 $0xBA987654;
	v34 =	vimm.s32 $0xFEDCBA98  }
0x11: {  	v2 =	vsel vm5, $0x42000000, v0;
	v0 =	vlaneseq.u32;
	v3 =	vsel vm5, $0x80000000, v3  }
0x12: {  	s5 =	smul.u32 $0x5, s1;
	v4 =	vsel vm5, $0xC1800000, v4;
	v5 =	vsel vm5, $0xC2000000, v5;
	v13 =	vunpack.c.l.s4.s8 v13  }
0x13: {  	v17 =	vunpack.c.l.s4.s8 v56;
	v18 =	vunpack.c.l.s4.s8 v15;
	v2 =	vsel vm6, $0x41F80000, v2  }
0x14: {  	s8 =	sadd.s32 $0xFFFFFFC4, s5;
	v3 =	vsel vm6, $0xBF800000, v3;
	v4 =	vsel vm6, $0xC1880000, v4;
	v5 =	vsel vm6, $0xC2040000, v5  }
0x15: {  	[tilespmem:s2], [sflag:$0x1] =	stream.linear.gather [hbm4b:s7+s2], $0x41, $0x38;
	v40 =	vmov s5;
	v1 =	vmov s8;
	v35 =	vsel vm8, $0x41F00000, v2;
	[tilespmem:$0x2400] =	vst v63  }
0x16: {  	s12 =	sadd.s32 $0xFFFFFFD0, s5;
	s15 =	sadd.s32 $0xFFFFFFE0, s5;
	v2 =	vsel vm5, $0x41800000, v36;
	v3 =	vsel vm8, $0xC0000000, v3;
	v4 =	vsel vm8, $0xC1900000, v4  }
0x17: {  	s17 =	sadd.s32 $0xFFFFFFF0, s5;
	s19 =	sadd.s32 $0xFFFFFFE4, s5;
	v5 =	vsel vm8, $0xC2080000, v5;
	v6 =	vmov s12;
	v37 =	vmov s15  }
0x18: {  	s20 =	sadd.s32 $0xFFFFFFD3, s5;
	v38 =	vmov s17;
	v13 =	vunpack.c.0.s8.s32 v13;
	v15 =	vmov s19  }
0x19: {  	s21 =	sadd.s32 $0xFFFFFFD2, s5;
	s22 =	sadd.s32 $0x2, s5;
	s23 =	sadd.s32 $0xFFFFFFE2, s5;
	v17 =	vunpack.c.0.s8.s32 v17;
	v18 =	vunpack.c.0.s8.s32 v18;
	v21 =	vmov s20  }
0x1a: {  	s24 =	sadd.s32 $0xFFFFFFF2, s5;
	v22 =	vmov s21;
	v27 =	vmov s22;
	v23 =	vmov s23  }
0x1b: {  	s13 =	simm.s32 $0x100;
	v31 =	vmov s24;
	vm0 =	veq.s32 v1, v0;
	v1 =	vsel vm4, $0x41E80000, v35  }
0x1c: {  	[tilespmem:s13], [sflag:$0x2] =	stream.linear.gather [hbm4b:s6+s2], $0x2080, $0x38;
	v2 =	vsel vm6, $0x41700000, v2;
	v3 =	vsel vm4, $0xC0400000, v3;
	v4 =	vsel vm4, $0xC1980000, v4;
	[tilespmem:$0x2400] =	vst v63  }
0x1d: {  	s14 =	simm.s32 $0x80;
	v5 =	vsel vm4, $0xC20C0000, v5;
	vm12 =	veq.s32 v6, v0;
	vm0 =	vmor vm0, vm1  }
0x1e: {  	[tilespmem:s14], [sflag:$0x2] =	stream.linear.gather [hbm4b:s4+s2], $0x80, $0x38;
	v1 =	vsel vm2, $0x41E00000, v1;
	v2 =	vsel vm8, $0x41600000, v2;
	v3 =	vsel vm2, $0xC0800000, v3;
	[tilespmem:$0x2400] =	vst v63  }
0x1f: {  	s4 =	sadd.s32 $0x4, s5;
	v4 =	vsel vm2, $0xC1A00000, v4;
	v5 =	vsel vm2, $0xC2100000, v5;
	vm8 =	veq.s32 v40, v0  }
0x20: {  	vm1 =	vmmov $0x1;
	v19 =	vmov s4;
	v57 =	vcombine.low v18, v17  }
0x21: {  	v17 =	vunpack.c.l.s4.s8 v59;
	v1 =	vsel vm3, $0x41D80000, v1;
	v2 =	vsel vm4, $0x41500000, v2  }
0x22: {  	v3 =	vsel vm3, $0xC0A00000, v3;
	v4 =	vsel vm3, $0xC1A80000, v4;
	v5 =	vsel vm3, $0xC2140000, v5  }
0x23: {  	vm4 =	veq.s32 v22, v0;
	v1 =	vsel vm13, $0x41D00000, v1;
	v2 =	vsel vm2, $0x41400000, v2  }
0x24: {  	v3 =	vsel vm13, $0xC0C00000, v3;
	v4 =	vsel vm13, $0xC1B00000, v4;
	v5 =	vsel vm13, $0xC2180000, v5  }
0x25: {  	v17 =	vunpack.c.0.s8.s32 v17;
	v1 =	vsel vm7, $0x41C80000, v1;
	v2 =	vsel vm3, $0x41300000, v2  }
0x26: {  	v3 =	vsel vm7, $0xC0E00000, v3;
	v4 =	vsel vm7, $0xC1B80000, v4;
	v5 =	vsel vm7, $0xC21C0000, v5  }
0x27: {  	v1 =	vsel vm14, $0x41C00000, v1;
	v2 =	vsel vm13, $0x41200000, v2;
	v3 =	vsel vm14, $0xC1000000, v3  }
0x28: {  	s16 =	simm.s32 $0x1;
	v4 =	vsel vm14, $0xC1C00000, v4;
	v5 =	vsel vm14, $0xC2200000, v5;
	vm13 =	vcmask $0x3734  }
0x29: {  	_ =	swait.ge [sflag:s16], $0x41;
	v1 =	vsel vm15, $0x41B80000, v1;
	v2 =	vsel vm7, $0x41100000, v2;
	v3 =	vsel vm15, $0xC1100000, v3  }
0x2a: {  	[sflag:s16] =	ssyncset.done $0x0;
	v4 =	vsel vm15, $0xC1C80000, v4;
	v5 =	vsel vm15, $0xC2240000, v5;
	v1 =	vsel vm9, $0x41B00000, v1  }
0x2b: {  	[sflag:s16] =	ssyncadd.s32 $0xFFFFFFBF;
	v2 =	vsel vm14, $0x41000000, v2;
	vm14 =	veq.s32 v37, v0;
	v3 =	vsel vm9, $0xC1200000, v3  }
0x2c: {  	v7 =	vld [tilespmem:$0x0];
	v4 =	vsel vm9, $0xC1D00000, v4;
	v5 =	vsel vm9, $0xC2280000, v5;
	v1 =	vsel vm10, $0x41A80000, v1  }
0x2d: {  	v8 =	vld.msk [tilespmem:s5+$0x0 ss:$0x0], $0xffff;
	v2 =	vsel vm15, $0x40E00000, v2;
	vm15 =	vcmask $0x3B38;
	v3 =	vsel vm10, $0xC1300000, v3  }
0x2e: {  	v9 =	vld [tilespmem:$0x10];
	v4 =	vsel vm10, $0xC1D80000, v4;
	v5 =	vsel vm10, $0xC22C0000, v5;
	v1 =	vsel vm11, $0x41A00000, v1  }
0x2f: {  	v43 =	vld [tilespmem:$0x30];
	v2 =	vsel vm9, $0x40C00000, v2;
	v3 =	vsel vm11, $0xC1400000, v3;
	v4 =	vsel vm11, $0xC1E00000, v4  }
0x30: {  	v45 =	vld [tilespmem:$0x40];
	v5 =	vsel vm11, $0xC2300000, v5;
	v1 =	vsel vm13, $0x41980000, v1;
	v2 =	vsel vm10, $0x40A00000, v2  }
0x31: {  	v11 =	vld [tilespmem:$0x20];
	v41 =	vsel vm13, $0xC1500000, v3;
	v4 =	vsel vm13, $0xC1E80000, v4;
	vm10 =	veq.s32 v38, v0  }
0x32: {  	v20 =	vld.msk [tilespmem:s5+$0x2 ss:$0x0], $0xffff;
	v5 =	vsel vm13, $0xC2340000, v5;
	v1 =	vsel vm15, $0x41900000, v1;
	v10 =	vsel vm11, $0x40800000, v2  }
0x33: {  	v42 =	vsel vm15, $0xC1600000, v41;
	v4 =	vsel vm15, $0xC1F00000, v4;
	v2 =	vadd.f32 v1, v7  }
0x34: {  	v5 =	vsel vm15, $0xC2380000, v5;
	v39 =	vsel vm13, $0x40400000, v10;
	v4 =	vadd.f32 v4, v43  }
0x35: {  	v7 =	vadd.f32 v5, v45;
	v1 =	vsel vm15, $0x40000000, v39;
	v12 =	vsub.f32 v2, v8  }
0x36: {  	s25 =	sadd.s32 $0xFFFFFFE3, s5;
	v41 =	vld.msk [tilespmem:s5+$0x3 ss:$0x0], $0xffff;
	v5 =	vor.u32 $0x10, v0;
	v3 =	vadd.f32 v1, v9;
	v1 =	vadd.f32 v42, v11  }
0x37: {  	v45 =	vmov s25;
	v52 =	vsub.f32 v4, v8;
	v26 =	vsub.f32 v2, v20  }
0x38: {  	v33 =	vsub.f32 v4, v20;
	v44 =	vand.u32 $0x7FFFFFFF, v12;
	v46 =	vsub.f32 v3, v8  }
0x39: {  	v48 =	vsub.f32 v1, v8;
	v11 =	vand.u32 $0x7FFFFFFF, v52;
	v8 =	vsub.f32 v7, v8  }
0x3a: {  	v12 =	vunpack.c.l.s4.s8 v53;
	v30 =	vsub.f32 v3, v20;
	v24 =	vsub.f32 v1, v20  }
0x3b: {  	v20 =	vsub.f32 v7, v20;
	v53 =	vsub.f32 v4, v41;
	v9 =	vsel vm8, $0x7F800000, v44  }
0x3c: {  	v22 =	vsub.f32 v7, v41;
	v11 =	vsel vm12, $0x7F800000, v11;
	vm2 =	vlt.f32 v9, $+Inf  }
0x3d: {  	vm9 =	vgt.f32 v9, $+Inf;
	v47 =	vand.u32 $0x7FFFFFFF, v46;
	v49 =	vand.u32 $0x7FFFFFFF, v48  }
0x3e: {  	v12 =	vunpack.c.0.s8.s32 v12;
	v54 =	vand.u32 $0x7FFFFFFF, v8;
	vm2 =	vmor vm9, vm2  }
0x3f: {  	v8 =	vor.u32 $0x30, v0;
	v6 =	vsel vm10, $0x7F800000, v47;
	v9 =	vnsel vm2, $0x7F800000, v9  }
0x40: {  	v32 =	vand.u32 $0x7FFFFFFF, v24;
	v24 =	vand.u32 $0x7FFFFFFF, v33;
	vm3 =	vlt.f32 v6, v9  }
0x41: {  	s7 =	sadd.s32 $0x3, s5;
	v20 =	vand.u32 $0x7FFFFFFF, v20;
	v50 =	vsel vm14, $0x7F800000, v49;
	v6 =	vsel vm3, v6, v9  }
0x42: {  	v46 =	vmov s7;
	v56 =	vand.u32 $0x7FFFFFFF, v53;
	vm11 =	vlt.f32 v50, v6  }
0x43: {  	v14 =	vnsel vm1, $0x7F800000, v54;
	v51 =	vnsel vm2, $0x0, v0;
	v9 =	vsel vm11, v50, v6  }
0x44: {  	v10 =	vsel vm3, v5, v51;
	v6 =	vor.u32 $0x20, v0;
	vm12 =	vlt.f32 v11, v9  }
0x45: {  	v12 =	vcombine.low v13, v12;
	v10 =	vsel vm11, v6, v10;
	v11 =	vsel vm12, v11, v9  }
0x46: {  	v10 =	vsel vm12, v8, v10;
	v9 =	vor.u32 $0x40, v0;
	vm13 =	vlt.f32 v14, v11  }
0x47: {  	v11 =	vsel vm13, v14, v11;
	v55 =	vsel vm13, v9, v10;
	v10 =	vand.u32 $0xF, v12  }
0x48: {  	v22 =	vand.u32 $0x7FFFFFFF, v22;
	v12 =	vperm.xlane v11, v10;
	v16 =	vperm.xlane v55, v10  }
0x49: {  	v24 =	vsel vm4, $0x7F800000, v24;
	v20 =	vnsel vm1, $0x7F800000, v20;
	v47 =	vsub.f32 v2, v41  }
0x4a: {  	v49 =	vsub.f32 v3, v41;
	vm14 =	veq.f32 v12, v11;
	vm15 =	vlt.s32 v16, v55  }
0x4b: {  	v48 =	vand.u32 $0x7FFFFFFF, v47;
	vm8 =	vlt.f32 v12, v11;
	vm2 =	vmand vm14, vm15  }
0x4c: {  	v12 =	vsel vm8, v12, v11;
	v11 =	vand.u32 $0xF, v57;
	vm2 =	vmor vm8, vm2  }
0x4d: {  	s26 =	sadd.s32 $0xFFFFFFF3, s5;
	v51 =	vsub.f32 v1, v41;
	v60 =	vperm.xlane v12, v11;
	v13 =	vsel vm2, v16, v55  }
0x4e: {  	s18 =	sadd.s32 $0xFFFFFFD4, s5;
	v50 =	vmov s26;
	v16 =	vunpack.c.l.s4.s8 v58;
	v61 =	vperm.xlane v13, v11  }
0x4f: {  	vm12 =	veq.s32 v27, v0;
	v14 =	vmov s18;
	vm9 =	veq.f32 v60, v12  }
0x50: {  	vm11 =	vlt.f32 v60, v12;
	v16 =	vunpack.c.0.s8.s32 v16;
	vm10 =	vlt.s32 v61, v13  }
0x51: {  	vm2 =	veq.s32 v19, v0;
	v62 =	vsel vm11, v60, v12;
	vm3 =	vmand vm9, vm10  }
0x52: {  	v60 =	vld.msk [tilespmem:s5+$0x4 ss:$0x0], $0xffff;
	v16 =	vcombine.low v17, v16;
	vm10 =	veq.s32 v23, v0;
	vm3 =	vmor vm11, vm3  }
0x53: {  	vm11 =	veq.s32 v31, v0;
	v23 =	vsel vm10, $0x7F800000, v32;
	v63 =	vsel vm3, v61, v13  }
0x54: {  	s28 =	sadd.s32 $0xFFFFFFF4, s5;
	v12 =	vand.u32 $0xF, v16;
	v13 =	vand.u32 $0x7FFFFFFF, v26;
	v16 =	vand.u32 $0x7FFFFFFF, v30  }
0x55: {  	v26 =	vimm.s32 $0x76543210;
	v61 =	vnsel vm1, $0x7F800000, v22;
	v30 =	vmov s28  }
0x56: {  	v28 =	vperm.xlane v62, v12;
	v29 =	vperm.xlane v63, v12;
	v13 =	vsel vm12, $0x7F800000, v13  }
0x57: {  	v16 =	vsel vm11, $0x7F800000, v16;
	v26 =	vunpack.c.l.s4.s8 v26;
	v27 =	vsub.f32 v2, v60  }
0x58: {  	v32 =	vsub.f32 v1, v60;
	vm15 =	vlt.f32 v13, $+Inf;
	vm9 =	vgt.f32 v13, $+Inf  }
0x59: {  	vm13 =	veq.f32 v28, v62;
	vm14 =	vlt.s32 v29, v63;
	vm5 =	vmor vm9, vm15  }
0x5a: {  	vm12 =	vlt.f32 v28, v62;
	v26 =	vunpack.c.0.s8.s32 v26;
	v33 =	vand.u32 $0x7FFFFFFF, v32  }
0x5b: {  	vm3 =	vmand vm13, vm14;
	v13 =	vnsel vm5, $0x7F800000, v13;
	v25 =	vnsel vm5, $0x0, v0  }
0x5c: {  	v17 =	vsel vm12, v28, v62;
	vm13 =	vlt.f32 v16, v13;
	vm10 =	vmor vm12, vm3  }
0x5d: {  	vm3 =	veq.s32 v21, v0;
	v21 =	vand.u32 $0x7FFFFFFF, v51;
	v13 =	vsel vm13, v16, v13  }
0x5e: {  	v16 =	vunpack.c.l.s4.s8 v34;
	v35 =	vsel vm13, v5, v25;
	v18 =	vsel vm10, v29, v63  }
0x5f: {  	v58 =	vsel vm3, $0x7F800000, v56;
	v29 =	vsub.f32 v3, v60;
	vm14 =	vlt.f32 v23, v13  }
0x60: {  	v34 =	vsub.f32 v4, v60;
	v16 =	vunpack.c.0.s8.s32 v16;
	v13 =	vsel vm14, v23, v13  }
0x61: {  	v23 =	vsel vm14, v6, v35;
	v31 =	vand.u32 $0x7FFFFFFF, v29;
	vm15 =	vlt.f32 v24, v13  }
0x62: {  	v24 =	vsel vm15, v24, v13;
	v36 =	vand.u32 $0xF, v16;
	v37 =	vsel vm15, v8, v23  }
0x63: {  	v23 =	vand.u32 $0x7FFFFFFF, v27;
	vm9 =	vlt.f32 v20, v24;
	v13 =	vcombine.low v36, v26  }
0x64: {  	v28 =	vsel vm2, $0x7F800000, v23;
	v20 =	vsel vm9, v20, v24;
	v16 =	vsel vm9, v9, v37  }
0x65: {  	vm2 =	vlt.f32 v28, $+Inf;
	v38 =	vperm.xlane v20, v10;
	v39 =	vperm.xlane v16, v10  }
0x66: {  	v37 =	vand.u32 $0x7FFFFFFF, v34;
	v19 =	vperm.xlane v17, v13;
	v40 =	vperm.xlane v18, v13  }
0x67: {  	vm11 =	veq.f32 v38, v20;
	vm12 =	vlt.s32 v39, v16;
	vm13 =	vlt.f32 v38, v20  }
0x68: {  	vm14 =	vlt.f32 v19, v17;
	vm15 =	veq.f32 v19, v17;
	vm9 =	vlt.s32 v40, v18  }
0x69: {  	vm4 =	vmand vm11, vm12;
	v20 =	vsel vm13, v38, v20;
	v38 =	vsub.f32 v7, v60  }
0x6a: {  	vm4 =	vmor vm13, vm4;
	v43 =	vperm.xlane v20, v11;
	vm13 =	veq.s32 v46, v0  }
0x6b: {  	v42 =	vsel vm4, v39, v16;
	vm4 =	vmand vm15, vm9;
	vm9 =	veq.s32 v45, v0  }
0x6c: {  	v22 =	vand.u32 $0x7FFFFFFF, v38;
	v44 =	vperm.xlane v42, v11;
	vm4 =	vmor vm14, vm4  }
0x6d: {  	vm10 =	veq.f32 v43, v20;
	vm12 =	vlt.f32 v43, v20;
	v55 =	vsel vm9, $0x7F800000, v21  }
0x6e: {  	v41 =	vsel vm0, $0x7F800000, v22;
	v16 =	vsel vm4, v40, v18;
	v19 =	vsel vm12, v43, v20  }
0x6f: {  	v18 =	vsel vm13, $0x7F800000, v48;
	v20 =	vand.u32 $0x7FFFFFFF, v49;
	vm11 =	vlt.s32 v44, v42  }
0x70: {  	vm14 =	vlt.f32 v18, $+Inf;
	vm15 =	vgt.f32 v18, $+Inf;
	v52 =	vperm.xlane v19, v12  }
0x71: {  	vm5 =	vmand vm10, vm11;
	vm4 =	vmor vm15, vm14;
	vm10 =	veq.s32 v50, v0  }
0x72: {  	vm5 =	vmor vm12, vm5;
	v18 =	vnsel vm4, $0x7F800000, v18;
	v20 =	vsel vm10, $0x7F800000, v20  }
0x73: {  	(v2sf) =	vpush v16, $0x0;
	v17 =	vsel vm5, v44, v42;
	vm5 =	vlt.f32 v20, v18  }
0x74: {  	v57 =	vnsel vm4, $0x0, v0;
	vm11 =	vlt.f32 v52, v19;
	v18 =	vsel vm5, v20, v18  }
0x75: {  	vm13 =	veq.f32 v52, v19;
	v54 =	vperm.xlane v17, v12;
	vm6 =	vlt.f32 v55, v18  }
0x76: {  	v19 =	vsel vm11, v52, v19;
	v59 =	vsel vm5, v5, v57;
	v18 =	vsel vm6, v55, v18  }
0x77: {  	v21 =	vsel vm6, v6, v59;
	vm14 =	vlt.s32 v54, v17;
	vm3 =	vlt.f32 v58, v18  }
0x78: {  	v18 =	vsel vm3, v58, v18;
	v21 =	vsel vm3, v8, v21;
	vm3 =	vmand vm13, vm14  }
0x79: {  	vm13 =	veq.s32 v30, v0;
	vm12 =	vlt.f32 v61, v18;
	vm3 =	vmor vm11, vm3  }
0x7a: {  	vm11 =	vgt.f32 v28, $+Inf;
	v18 =	vsel vm12, v61, v18;
	v62 =	vsel vm12, v9, v21  }
0x7b: {  	vm12 =	veq.s32 v15, v0;
	vm2 =	vmor vm11, vm2;
	v15 =	vsel vm13, $0x7F800000, v31  }
0x7c: {  	v63 =	vperm.xlane v18, v10;
	v26 =	vperm.xlane v62, v10;
	v21 =	vnsel vm2, $0x7F800000, v28  }
0x7d: {  	v45 =	vperm.xlane v19, v13;
	v36 =	vsel vm12, $0x7F800000, v33;
	vm14 =	vlt.f32 v15, v21  }
0x7e: {  	vm15 =	veq.f32 v63, v18;
	vm9 =	vlt.s32 v26, v62;
	v35 =	vsel vm14, v15, v21  }
0x7f: {  	vm4 =	vmand vm15, vm9;
	vm15 =	veq.s32 v14, v0;
	vm6 =	vlt.f32 v36, v35  }
0x80: {  	v39 =	vnsel vm2, $0x0, v0;
	v21 =	vsel vm15, $0x7F800000, v37;
	v14 =	vsel vm6, v36, v35  }
0x81: {  	v17 =	vsel vm3, v54, v17;
	v40 =	vsel vm14, v5, v39;
	vm9 =	vlt.f32 v21, v14  }
0x82: {  	v46 =	vperm.xlane v17, v13;
	v15 =	vsel vm6, v6, v40;
	v14 =	vsel vm9, v21, v14  }
0x83: {  	vm10 =	vlt.f32 v63, v18;
	v15 =	vsel vm9, v8, v15;
	vm0 =	vlt.f32 v41, v14  }
0x84: {  	v18 =	vsel vm10, v63, v18;
	v14 =	vsel vm0, v41, v14;
	v15 =	vsel vm0, v9, v15  }
0x85: {  	vm4 =	vmor vm10, vm4;
	v21 =	vperm.xlane v14, v10;
	v44 =	vperm.xlane v15, v10  }
0x86: {  	vm7 =	vlt.s32 v46, v17;
	v42 =	vperm.xlane v18, v11;
	v20 =	vsel vm4, v26, v62  }
0x87: {  	v43 =	vperm.xlane v20, v11;
	vm12 =	veq.f32 v21, v14;
	vm13 =	vlt.s32 v44, v15  }
0x88: {  	vm8 =	vlt.f32 v42, v18;
	vm14 =	vlt.f32 v21, v14;
	vm3 =	vmand vm12, vm13  }
0x89: {  	vm10 =	veq.f32 v42, v18;
	v18 =	vsel vm8, v42, v18;
	vm2 =	vmor vm14, vm3  }
0x8a: {  	vm11 =	vlt.s32 v43, v20;
	v14 =	vsel vm14, v21, v14;
	v15 =	vsel vm2, v44, v15  }
0x8b: {  	vm0 =	vmand vm10, vm11;
	v21 =	vperm.xlane v14, v11;
	v24 =	vperm.xlane v15, v11  }
0x8c: {  	vm15 =	veq.f32 v45, v19;
	v22 =	vperm.xlane v18, v12;
	vm0 =	vmor vm8, vm0  }
0x8d: {  	v20 =	vsel vm0, v43, v20;
	vm9 =	veq.f32 v21, v14;
	vm10 =	vlt.s32 v24, v15  }
0x8e: {  	v23 =	vperm.xlane v20, v12;
	vm11 =	vlt.f32 v21, v14;
	vm0 =	vmand vm9, vm10  }
0x8f: {  	vm12 =	vlt.f32 v22, v18;
	vm13 =	veq.f32 v22, v18;
	vm0 =	vmor vm11, vm0  }
0x90: {  	vm3 =	vmand vm15, vm7;
	v14 =	vsel vm11, v21, v14;
	v15 =	vsel vm0, v24, v15  }
0x91: {  	vm14 =	vlt.s32 v23, v20;
	v21 =	vperm.xlane v14, v12;
	v24 =	vperm.xlane v15, v12  }
0x92: {  	vm15 =	vlt.f32 v45, v19;
	v18 =	vsel vm12, v22, v18;
	vm0 =	vmand vm13, vm14  }
0x93: {  	vm8 =	veq.f32 v21, v14;
	vm0 =	vmor vm12, vm0;
	vm9 =	vlt.s32 v24, v15  }
0x94: {  	vm10 =	vlt.f32 v21, v14;
	v47 =	vsel vm0, v23, v20;
	vm0 =	vmand vm8, vm9  }
0x95: {  	v48 =	vperm.xlane v18, v13;
	vm3 =	vmor vm15, vm3;
	vm0 =	vmor vm10, vm0  }
0x96: {  	v14 =	vsel vm10, v21, v14;
	v49 =	vperm.xlane v47, v13;
	v15 =	vsel vm0, v24, v15  }
0x97: {  	v52 =	vsel vm3, v46, v17;
	v50 =	vperm.xlane v14, v13;
	v51 =	vperm.xlane v15, v13  }
0x98: {  	vm11 =	vlt.f32 v48, v18;
	vm12 =	veq.f32 v48, v18;
	vm13 =	vlt.s32 v49, v47  }
0x99: {  	vm14 =	veq.f32 v50, v14;
	vm2 =	vmand vm12, vm13;
	vm15 =	vlt.s32 v51, v15  }
0x9a: {  	vm7 =	vlt.f32 v50, v14;
	vm0 =	vmor vm11, vm2;
	vm3 =	vmand vm14, vm15  }
0x9b: {  	(v2sf) =	vpush v52, $0x0;
	v53 =	vsel vm0, v49, v47;
	vm8 =	vmor vm7, vm3  }
0x9c: {  	(v2sf) =	vpush v53, $0x0;
	v54 =	vsel vm8, v51, v15  }
0x9d: {  	(v2sf) =	vpush v54, $0x0;
	_ =	sdelay $0xb  }
0x9e: {  	s11 =	spop (v2sf)  }
0x9f: {  	s10 =	spop (v2sf)  }
0xa0: {  	s9 =	spop (v2sf)  }
0xa1: {  	s12 =	simm.s32 $0x2;
	s29 =	spop (v2sf)  }
0xa2: {  	v55 =	vld.msk [tilespmem:s5+$0x1 ss:$0x0], $0xffff;
	_ =	swait.ge [sflag:s12], $0x80  }
0xa3: {  	[sflag:s12] =	ssyncset.done $0x0  }
0xa4: {  	[sflag:s12] =	ssyncadd.s32 $0xFFFFFF80  }
0xa5: {  	_ =	swait.ge [sflag:s12], $0x2080  }
0xa6: {  	s11 =	sshll.u32 s11, $0x9;
	[sflag:s12] =	ssyncset.done $0x0  }
0xa7: {  	s30 =	sshra.s32 s11, $0x2;
	[sflag:s12] =	ssyncadd.s32 $0xFFFFDF80  }
0xa8: {  	v56 =	vld [tilespmem:s30+$0x100]  }
0xa9: {  	v57 =	vld [tilespmem:$0x80];
	_ =	sdelay $0x4  }
0xaa: {  	v15 =	vadd.f32 v57, v56;
	_ =	sdelay $0x1  }
0xab: {  	v58 =	vld [tilespmem:$0x90];
	[tilespmem:$0x2180] =	vst v15  }
0xac: {  	s31 =	sadd.s32 $0x1, s5;
	s13 =	sadd.s32 $0xFFFFFFE1, s5;
	v2 =	vsub.f32 v2, v55;
	v15 =	vld [tilespmem:s30+$0x110]  }
0xad: {  	v60 =	vmov s13;
	v59 =	vmov s31;
	v3 =	vsub.f32 v3, v55  }
0xae: {  	v1 =	vsub.f32 v1, v55;
	v2 =	vand.u32 $0x7FFFFFFF, v2;
	vm9 =	veq.s32 v59, v0  }
0xaf: {  	s14 =	sadd.s32 $0xFFFFFFF1, s5;
	v4 =	vsub.f32 v4, v55;
	v3 =	vand.u32 $0x7FFFFFFF, v3;
	v2 =	vsel vm9, $0x7F800000, v2  }
0xb0: {  	v62 =	vmov s14;
	vm10 =	vgt.f32 v2, $+Inf;
	vm0 =	vlt.f32 v2, $+Inf  }
0xb1: {  	vm11 =	veq.s32 v62, v0;
	vm0 =	vmor vm10, vm0;
	v15 =	vadd.f32 v58, v15  }
0xb2: {  	v1 =	vand.u32 $0x7FFFFFFF, v1;
	v3 =	vsel vm11, $0x7F800000, v3;
	v2 =	vnsel vm0, $0x7F800000, v2  }
0xb3: {  	s5 =	sadd.s32 $0xFFFFFFD1, s5;
	v16 =	vand.u32 $0x7FFFFFFF, v4;
	vm12 =	veq.s32 v60, v0;
	vm3 =	vlt.f32 v3, v2;
	v61 =	vld [tilespmem:$0xA0];
	[tilespmem:$0x2190] =	vst v15  }
0xb4: {  	v63 =	vmov s5;
	v1 =	vsel vm12, $0x7F800000, v1;
	v2 =	vsel vm3, v3, v2;
	v15 =	vld [tilespmem:s30+$0x120]  }
0xb5: {  	v17 =	vsub.f32 v7, v55;
	vm13 =	veq.s32 v63, v0;
	vm2 =	vlt.f32 v1, v2  }
0xb6: {  	v0 =	vnsel vm0, $0x0, v0;
	v3 =	vsel vm13, $0x7F800000, v16;
	v1 =	vsel vm2, v1, v2  }
0xb7: {  	v4 =	vand.u32 $0x7FFFFFFF, v17;
	v0 =	vsel vm3, v5, v0;
	vm14 =	vlt.f32 v3, v1  }
0xb8: {  	v20 =	vnsel vm1, $0x7F800000, v4;
	v0 =	vsel vm2, v6, v0;
	v1 =	vsel vm14, v3, v1  }
0xb9: {  	v0 =	vsel vm14, v8, v0;
	vm15 =	vlt.f32 v20, v1;
	v15 =	vadd.f32 v61, v15  }
0xba: {  	v1 =	vsel vm15, v20, v1;
	v0 =	vsel vm15, v9, v0  }
0xbb: {  	v3 =	vperm.xlane v1, v10;
	v21 =	vperm.xlane v0, v10;
	v19 =	vld [tilespmem:$0xB0];
	[tilespmem:$0x21A0] =	vst v15  }
0xbc: {  	v18 =	vld [tilespmem:s30+$0x130]  }
0xbd: {  	vm4 =	veq.f32 v3, v1;
	vm5 =	vlt.s32 v21, v0  }
0xbe: {  	vm6 =	vlt.f32 v3, v1;
	vm0 =	vmand vm4, vm5  }
0xbf: {  	vm0 =	vmor vm6, vm0  }
0xc0: {  	v1 =	vsel vm6, v3, v1;
	v0 =	vsel vm0, v21, v0  }
0xc1: {  	v23 =	vperm.xlane v1, v11;
	v24 =	vperm.xlane v0, v11;
	v2 =	vadd.f32 v19, v18;
	_ =	sdelay $0x1  }
0xc2: {  	vm7 =	veq.f32 v23, v1;
	vm8 =	vlt.s32 v24, v0;
	v22 =	vld [tilespmem:$0xC0];
	[tilespmem:$0x21B0] =	vst v2  }
0xc3: {  	vm9 =	vlt.f32 v23, v1;
	vm0 =	vmand vm7, vm8;
	v2 =	vld [tilespmem:s30+$0x140]  }
0xc4: {  	vm0 =	vmor vm9, vm0  }
0xc5: {  	v1 =	vsel vm9, v23, v1;
	v0 =	vsel vm0, v24, v0  }
0xc6: {  	v25 =	vperm.xlane v1, v12;
	v26 =	vperm.xlane v0, v12;
	_ =	sdelay $0x1  }
0xc7: {  	vm10 =	veq.f32 v25, v1;
	vm11 =	vlt.s32 v26, v0;
	v2 =	vadd.f32 v22, v2  }
0xc8: {  	vm12 =	vlt.f32 v25, v1;
	vm0 =	vmand vm10, vm11  }
0xc9: {  	v27 =	vld [tilespmem:$0xD0];
	vm0 =	vmor vm12, vm0;
	[tilespmem:$0x21C0] =	vst v2  }
0xca: {  	v1 =	vsel vm12, v25, v1;
	v0 =	vsel vm0, v26, v0;
	v2 =	vld [tilespmem:s30+$0x150]  }
0xcb: {  	v3 =	vperm.xlane v1, v13;
	v4 =	vperm.xlane v0, v13;
	_ =	sdelay $0x1  }
0xcc: {  	vm13 =	veq.f32 v3, v1;
	vm14 =	vlt.s32 v4, v0  }
0xcd: {  	vm15 =	vlt.f32 v3, v1;
	vm0 =	vmand vm13, vm14  }
0xce: {  	vm0 =	vmor vm15, vm0;
	v2 =	vadd.f32 v27, v2  }
0xcf: {  	v0 =	vsel vm0, v4, v0  }
0xd0: {  	v29 =	vld [tilespmem:$0xE0];
	(v2sf) =	vpush v0, $0x0;
	[tilespmem:$0x21D0] =	vst v2  }
0xd1: {  	v28 =	vld [tilespmem:s30+$0x160];
	_ =	sdelay $0x4  }
0xd2: {  	v30 =	vadd.f32 v29, v28;
	_ =	sdelay $0x1  }
0xd3: {  	v31 =	vld [tilespmem:$0xF0];
	[tilespmem:$0x21E0] =	vst v30  }
0xd4: {  	v0 =	vld [tilespmem:s30+$0x170];
	_ =	sdelay $0x4  }
0xd5: {  	s15 =	smul.u32 $0x50, s1;
	v0 =	vadd.f32 v31, v0  }
0xd6: {  	s16 =	spop (v2sf)  }
0xd7: {  	s17 =	simm.s32 $0x2180;
	s5 =	sadd.s32 s3, s15;
	s18 =	sshll.u32 s16, $0x9;
	[tilespmem:$0x21F0] =	vst v0  }
0xd8: {  	[hbm4b:s5+s2] =	stream.linear.scatter [tilespmem:s17], [sflag:$0x3], $0x80, $0x38;
	[tilespmem:$0x2400] =	vst v63  }
0xd9: {  	s5 =	sshra.s32 s18, $0x2  }
0xda: {  	v0 =	vld [tilespmem:s5+$0x100]  }
0xdb: {  	v32 =	vld [tilespmem:$0x80];
	_ =	sdelay $0x4  }
0xdc: {  	v0 =	vadd.f32 v32, v0;
	_ =	sdelay $0x1  }
0xdd: {  	v33 =	vld [tilespmem:$0x90];
	[tilespmem:$0x2200] =	vst v0  }
0xde: {  	v0 =	vld [tilespmem:s5+$0x110];
	_ =	sdelay $0x4  }
0xdf: {  	v0 =	vadd.f32 v33, v0;
	_ =	sdelay $0x1  }
0xe0: {  	v34 =	vld [tilespmem:$0xA0];
	[tilespmem:$0x2210] =	vst v0  }
0xe1: {  	v0 =	vld [tilespmem:s5+$0x120];
	_ =	sdelay $0x4  }
0xe2: {  	v0 =	vadd.f32 v34, v0;
	_ =	sdelay $0x1  }
0xe3: {  	v35 =	vld [tilespmem:$0xB0];
	[tilespmem:$0x2220] =	vst v0  }
0xe4: {  	v0 =	vld [tilespmem:s5+$0x130];
	_ =	sdelay $0x4  }
0xe5: {  	v0 =	vadd.f32 v35, v0;
	_ =	sdelay $0x1  }
0xe6: {  	v36 =	vld [tilespmem:$0xC0];
	[tilespmem:$0x2230] =	vst v0  }
0xe7: {  	v0 =	vld [tilespmem:s5+$0x140];
	_ =	sdelay $0x4  }
0xe8: {  	v0 =	vadd.f32 v36, v0;
	_ =	sdelay $0x1  }
0xe9: {  	v37 =	vld [tilespmem:$0xD0];
	[tilespmem:$0x2240] =	vst v0  }
0xea: {  	v0 =	vld [tilespmem:s5+$0x150];
	_ =	sdelay $0x4  }
0xeb: {  	v0 =	vadd.f32 v37, v0;
	_ =	sdelay $0x1  }
0xec: {  	v38 =	vld [tilespmem:$0xE0];
	[tilespmem:$0x2250] =	vst v0  }
0xed: {  	v0 =	vld [tilespmem:s5+$0x160];
	_ =	sdelay $0x4  }
0xee: {  	v0 =	vadd.f32 v38, v0;
	_ =	sdelay $0x1  }
0xef: {  	v39 =	vld [tilespmem:$0xF0];
	[tilespmem:$0x2260] =	vst v0  }
0xf0: {  	v0 =	vld [tilespmem:s5+$0x170];
	_ =	sdelay $0x4  }
0xf1: {  	v0 =	vadd.f32 v39, v0  }
0xf2: {  	s19 =	sshll.u32 s31, $0x4  }
0xf3: {  	s20 =	simm.s32 $0x2200;
	s21 =	sshll.u32 s10, $0x9;
	s5 =	sadd.s32 s3, s19;
	[tilespmem:$0x2270] =	vst v0  }
0xf4: {  	[hbm4b:s5+s2] =	stream.linear.scatter [tilespmem:s20], [sflag:$0x3], $0x80, $0x38;
	[tilespmem:$0x2400] =	vst v63  }
0xf5: {  	s5 =	sshra.s32 s21, $0x2  }
0xf6: {  	v0 =	vld [tilespmem:s5+$0x100]  }
0xf7: {  	v40 =	vld [tilespmem:$0x80];
	_ =	sdelay $0x4  }
0xf8: {  	v0 =	vadd.f32 v40, v0;
	_ =	sdelay $0x1  }
0xf9: {  	v41 =	vld [tilespmem:$0x90];
	[tilespmem:$0x2280] =	vst v0  }
0xfa: {  	v0 =	vld [tilespmem:s5+$0x110];
	_ =	sdelay $0x4  }
0xfb: {  	v0 =	vadd.f32 v41, v0;
	_ =	sdelay $0x1  }
0xfc: {  	v42 =	vld [tilespmem:$0xA0];
	[tilespmem:$0x2290] =	vst v0  }
0xfd: {  	v0 =	vld [tilespmem:s5+$0x120];
	_ =	sdelay $0x4  }
0xfe: {  	v0 =	vadd.f32 v42, v0;
	_ =	sdelay $0x1  }
0xff: {  	v43 =	vld [tilespmem:$0xB0];
	[tilespmem:$0x22A0] =	vst v0  }
0x100: {  	v0 =	vld [tilespmem:s5+$0x130];
	_ =	sdelay $0x4  }
0x101: {  	v0 =	vadd.f32 v43, v0;
	_ =	sdelay $0x1  }
0x102: {  	v44 =	vld [tilespmem:$0xC0];
	[tilespmem:$0x22B0] =	vst v0  }
0x103: {  	v0 =	vld [tilespmem:s5+$0x140];
	_ =	sdelay $0x4  }
0x104: {  	v0 =	vadd.f32 v44, v0;
	_ =	sdelay $0x1  }
0x105: {  	v45 =	vld [tilespmem:$0xD0];
	[tilespmem:$0x22C0] =	vst v0  }
0x106: {  	v0 =	vld [tilespmem:s5+$0x150];
	_ =	sdelay $0x4  }
0x107: {  	v0 =	vadd.f32 v45, v0;
	_ =	sdelay $0x1  }
0x108: {  	v46 =	vld [tilespmem:$0xE0];
	[tilespmem:$0x22D0] =	vst v0  }
0x109: {  	v0 =	vld [tilespmem:s5+$0x160];
	_ =	sdelay $0x4  }
0x10a: {  	v0 =	vadd.f32 v46, v0;
	_ =	sdelay $0x1  }
0x10b: {  	v47 =	vld [tilespmem:$0xF0];
	[tilespmem:$0x22E0] =	vst v0  }
0x10c: {  	v0 =	vld [tilespmem:s5+$0x170];
	_ =	sdelay $0x4  }
0x10d: {  	v0 =	vadd.f32 v47, v0  }
0x10e: {  	s22 =	sshll.u32 s22, $0x4  }
0x10f: {  	s23 =	simm.s32 $0x2280;
	s24 =	sshll.u32 s9, $0x9;
	s5 =	sadd.s32 s3, s22;
	[tilespmem:$0x22F0] =	vst v0  }
0x110: {  	[hbm4b:s5+s2] =	stream.linear.scatter [tilespmem:s23], [sflag:$0x3], $0x80, $0x38;
	[tilespmem:$0x2400] =	vst v63  }
0x111: {  	s5 =	sshra.s32 s24, $0x2  }
0x112: {  	v0 =	vld [tilespmem:s5+$0x100]  }
0x113: {  	v48 =	vld [tilespmem:$0x80];
	_ =	sdelay $0x4  }
0x114: {  	v0 =	vadd.f32 v48, v0;
	_ =	sdelay $0x1  }
0x115: {  	v49 =	vld [tilespmem:$0x90];
	[tilespmem:$0x2300] =	vst v0  }
0x116: {  	v0 =	vld [tilespmem:s5+$0x110];
	_ =	sdelay $0x4  }
0x117: {  	v0 =	vadd.f32 v49, v0;
	_ =	sdelay $0x1  }
0x118: {  	v50 =	vld [tilespmem:$0xA0];
	[tilespmem:$0x2310] =	vst v0  }
0x119: {  	v0 =	vld [tilespmem:s5+$0x120];
	_ =	sdelay $0x4  }
0x11a: {  	v0 =	vadd.f32 v50, v0;
	_ =	sdelay $0x1  }
0x11b: {  	v51 =	vld [tilespmem:$0xB0];
	[tilespmem:$0x2320] =	vst v0  }
0x11c: {  	v0 =	vld [tilespmem:s5+$0x130];
	_ =	sdelay $0x4  }
0x11d: {  	v0 =	vadd.f32 v51, v0;
	_ =	sdelay $0x1  }
0x11e: {  	v52 =	vld [tilespmem:$0xC0];
	[tilespmem:$0x2330] =	vst v0  }
0x11f: {  	v0 =	vld [tilespmem:s5+$0x140];
	_ =	sdelay $0x4  }
0x120: {  	v0 =	vadd.f32 v52, v0;
	_ =	sdelay $0x1  }
0x121: {  	v53 =	vld [tilespmem:$0xD0];
	[tilespmem:$0x2340] =	vst v0  }
0x122: {  	v0 =	vld [tilespmem:s5+$0x150];
	_ =	sdelay $0x4  }
0x123: {  	v0 =	vadd.f32 v53, v0;
	_ =	sdelay $0x1  }
0x124: {  	v54 =	vld [tilespmem:$0xE0];
	[tilespmem:$0x2350] =	vst v0  }
0x125: {  	v0 =	vld [tilespmem:s5+$0x160];
	_ =	sdelay $0x4  }
0x126: {  	v0 =	vadd.f32 v54, v0;
	_ =	sdelay $0x1  }
0x127: {  	v55 =	vld [tilespmem:$0xF0];
	[tilespmem:$0x2360] =	vst v0  }
0x128: {  	v0 =	vld [tilespmem:s5+$0x170];
	_ =	sdelay $0x4  }
0x129: {  	v0 =	vadd.f32 v55, v0  }
0x12a: {  	s25 =	sshll.u32 s7, $0x4  }
0x12b: {  	s26 =	simm.s32 $0x2300;
	s28 =	sshll.u32 s29, $0x9;
	s5 =	sadd.s32 s3, s25;
	[tilespmem:$0x2370] =	vst v0  }
0x12c: {  	[hbm4b:s5+s2] =	stream.linear.scatter [tilespmem:s26], [sflag:$0x3], $0x80, $0x38;
	[tilespmem:$0x2400] =	vst v63  }
0x12d: {  	s5 =	sshra.s32 s28, $0x2  }
0x12e: {  	v0 =	vld [tilespmem:s5+$0x100]  }
0x12f: {  	v56 =	vld [tilespmem:$0x80];
	_ =	sdelay $0x4  }
0x130: {  	v0 =	vadd.f32 v56, v0;
	_ =	sdelay $0x1  }
0x131: {  	v57 =	vld [tilespmem:$0x90];
	[tilespmem:$0x2380] =	vst v0  }
0x132: {  	v0 =	vld [tilespmem:s5+$0x110];
	_ =	sdelay $0x4  }
0x133: {  	v0 =	vadd.f32 v57, v0;
	_ =	sdelay $0x1  }
0x134: {  	v58 =	vld [tilespmem:$0xA0];
	[tilespmem:$0x2390] =	vst v0  }
0x135: {  	v0 =	vld [tilespmem:s5+$0x120];
	_ =	sdelay $0x4  }
0x136: {  	v0 =	vadd.f32 v58, v0;
	_ =	sdelay $0x1  }
0x137: {  	v59 =	vld [tilespmem:$0xB0];
	[tilespmem:$0x23A0] =	vst v0  }
0x138: {  	v0 =	vld [tilespmem:s5+$0x130];
	_ =	sdelay $0x4  }
0x139: {  	v0 =	vadd.f32 v59, v0;
	_ =	sdelay $0x1  }
0x13a: {  	v60 =	vld [tilespmem:$0xC0];
	[tilespmem:$0x23B0] =	vst v0  }
0x13b: {  	v0 =	vld [tilespmem:s5+$0x140];
	_ =	sdelay $0x4  }
0x13c: {  	v0 =	vadd.f32 v60, v0;
	_ =	sdelay $0x1  }
0x13d: {  	v61 =	vld [tilespmem:$0xD0];
	[tilespmem:$0x23C0] =	vst v0  }
0x13e: {  	v0 =	vld [tilespmem:s5+$0x150];
	_ =	sdelay $0x4  }
0x13f: {  	v0 =	vadd.f32 v61, v0;
	_ =	sdelay $0x1  }
0x140: {  	v62 =	vld [tilespmem:$0xE0];
	[tilespmem:$0x23D0] =	vst v0  }
0x141: {  	v0 =	vld [tilespmem:s5+$0x160];
	_ =	sdelay $0x4  }
0x142: {  	v0 =	vadd.f32 v62, v0;
	_ =	sdelay $0x1  }
0x143: {  	v63 =	vld [tilespmem:$0xF0];
	[tilespmem:$0x23E0] =	vst v0  }
0x144: {  	v0 =	vld [tilespmem:s5+$0x170];
	_ =	sdelay $0x4  }
0x145: {  	v0 =	vadd.f32 v63, v0  }
0x146: {  	s4 =	sshll.u32 s4, $0x4  }
0x147: {  	s31 =	simm.s32 $0x3;
	s29 =	sadd.s32 s3, s4;
	s30 =	simm.s32 $0x2380;
	[tilespmem:$0x23F0] =	vst v0  }
0x148: {  	[hbm4b:s29+s2] =	stream.linear.scatter [tilespmem:s30], [sflag:$0x3], $0x80, $0x38;
	[tilespmem:$0x2400] =	vst v63  }
0x149: {  	_ =	swait.ge [sflag:s31], $0x80  }
0x14a: {  	[sflag:s31] =	ssyncset.done $0x0  }
0x14b: {  	[sflag:s31] =	ssyncadd.s32 $0xFFFFFF80  }
0x14c: {  	_ =	swait.ge [sflag:s31], $0x80  }
0x14d: {  	[sflag:s31] =	ssyncset.done $0x0  }
0x14e: {  	[sflag:s31] =	ssyncadd.s32 $0xFFFFFF80  }
0x14f: {  	_ =	swait.ge [sflag:s31], $0x80  }
0x150: {  	[sflag:s31] =	ssyncset.done $0x0  }
0x151: {  	[sflag:s31] =	ssyncadd.s32 $0xFFFFFF80  }
0x152: {  	_ =	swait.ge [sflag:s31], $0x80  }
0x153: {  	[sflag:s31] =	ssyncset.done $0x0  }
0x154: {  	[sflag:s31] =	ssyncadd.s32 $0xFFFFFF80  }
0x155: {  	_ =	swait.ge [sflag:s31], $0x80  }
0x156: {  	[sflag:s31] =	ssyncset.done $0x0  }
0x157: {  	[sflag:s31] =	ssyncadd.s32 $0xFFFFFF80  }
.LBB2_2:
0x158: {  	_ =	sfence.sel $0x180000  }
0x159: {  	[bflag:$0x0] =	sbarrier.arrive $0xFFFF  }
0x15a: {  	p0 =	sne.s32 s1, $0x0;
	_ =	strace $0x90000047  }
0x15b: {  	s0 =	sadd.s32 @!p0 $0x100000, s0;
	[bflag:$0x2] =	sbarrier.arrive $0xFFFF  }
0x15c: {  	[sflag:s0] =	ssyncadd.tile.s32 @!p0 $0x1;
	_ =	shalt  }
.Lfunc_end2:
_tile_overlayer_lowered:
.L_overlay_start_2:
0x15d: {  	(tag) =	ssettag $0x2  }
0x15e: {  	s0 =	rddreg [dreg:$0x0];
	s2 =	stileid.u32  }
0x15f: {  	s1 =	rddreg [dreg:$0x1];
	p0 =	sne.s32 s2, $0x0  }
0x160: {  	s3 =	rddreg [dreg:$0x2];
	[bflag:$0x3] =	sbarrier.arrive $0xFFFF;
	s2 =	simm.s32 @!p0 $0x1C04  }
0x161: {  	[timem:s3], [sflag:s2] =	dma.local @!p0 [hbm:s0], s1  }
0x162: {  	s0 =	simm.s32 @!p0 $0x4  }
0x163: {  	_ =	swait.ge @!p0 [sflag:s0], s1  }
0x164: {  	s1 =	ssub.s32 @!p0 $0x0, s1;
	[sflag:s0] =	ssyncset.done @!p0 $0x0  }
0x165: {  	[sflag:s0] =	ssyncadd.s32 @!p0 s1  }
0x166: {  	[bflag:$0x3] =	sbarrier.arrive $0xFFFF  }
0x167: {  	_ =	shalt  }

</sc_bundles>
